<compile_context>
chip_gen: v7x
topology: tpu7x:2x2x1
jax: 0.10.2.dev20260603
libtpu: 0.0.44.dev20260713+nightly
codegen_flags: <defaults>
</compile_context>

<pallas_src>
import functools

import jax
import jax.numpy as jnp
from jax import lax
from jax.experimental import pallas as pl
from jax.experimental.pallas import tpu as pltpu
from jax.experimental.pallas import tpu_sc as plsc

N_FACTORS = 64
HIDDEN = 256
BATCH = 16384
MAX_RATING = 5.0
MIN_RATING = 0.5

NC = 2
NS = 16
NW = NC * NS
B_PER_W = BATCH // NW
IDX_CHUNK = 128
N_CHUNKS = B_PER_W // IDX_CHUNK

RB = 256
N_STEPS = BATCH // RB


def _sc_gather_movie(movie2d, M):
    mesh = plsc.VectorSubcoreMesh(core_axis_name="c", subcore_axis_name="s")

    @functools.partial(
        pl.kernel,
        out_type=jax.ShapeDtypeStruct((BATCH, N_FACTORS), jnp.float32),
        mesh=mesh,
        scratch_types=[
            pltpu.VMEM((N_CHUNKS, IDX_CHUNK), jnp.int32),
            pltpu.VMEM((B_PER_W, N_FACTORS), jnp.float32),
            pltpu.SemaphoreType.DMA,
        ],
        compiler_params=pltpu.CompilerParams(use_tc_tiling_on_sc=False),
    )
    def k(movie_hbm, m_hbm, me_hbm, midx_v, rows_v, sem):
        wid = lax.axis_index("s") * NC + lax.axis_index("c")
        base = wid * B_PER_W
        crow = wid * N_CHUNKS
        pltpu.sync_copy(movie_hbm.at[pl.ds(crow, N_CHUNKS)], midx_v)
        copies = []
        for j in range(N_CHUNKS):
            dst = rows_v.at[pl.ds(j * IDX_CHUNK, IDX_CHUNK)]
            c = pltpu.make_async_copy(m_hbm.at[midx_v.at[j]], dst, sem)
            c.start()
            copies.append(c)
        for c in copies:
            c.wait()
        pltpu.sync_copy(rows_v, me_hbm.at[pl.ds(base, B_PER_W)])

    return k(movie2d, M)


def _ug_body(uidx_s, u_any, out_ref, ubuf, sems):
    j = pl.program_id(0)
    cur = lax.rem(j, 2)
    nxt = lax.rem(j + 1, 2)

    def fire(slot, step):
        def row(r, carry):
            idx = uidx_s[step * RB + r]
            pltpu.make_async_copy(
                u_any.at[pl.ds(idx, 1)],
                ubuf.at[slot, pl.ds(r, 1)],
                sems.at[slot]).start()
            return carry
        lax.fori_loop(0, RB, row, 0, unroll=32)

    @pl.when(j == 0)
    def _():
        fire(cur, j)

    @pl.when(j + 1 < N_STEPS)
    def _():
        fire(nxt, j + 1)

    pltpu.make_async_copy(
        u_any.at[pl.ds(0, RB)], ubuf.at[cur], sems.at[cur]).wait()
    out_ref[...] = ubuf[cur]


def _tc_gather_user(user, U):
    grid_spec = pltpu.PrefetchScalarGridSpec(
        num_scalar_prefetch=1,
        grid=(N_STEPS,),
        in_specs=[pl.BlockSpec(memory_space=pltpu.HBM)],
        out_specs=pl.BlockSpec((RB, N_FACTORS), lambda i, idx_ref: (i, 0)),
        scratch_shapes=[
            pltpu.VMEM((2, RB, N_FACTORS), jnp.float32),
            pltpu.SemaphoreType.DMA((2,)),
        ],
    )
    return pl.pallas_call(
        _ug_body,
        grid_spec=grid_spec,
        out_shape=jax.ShapeDtypeStruct((BATCH, N_FACTORS), jnp.float32),
    )(user, U)


def _mlp_body(ue_ref, me_ref, w1_ref, b1_ref, w2_ref, b2_ref, out_ref):
    w1 = w1_ref[...]
    h = lax.dot_general(ue_ref[...], w1[:, :N_FACTORS],
                        (((1,), (1,)), ((), ())),
                        preferred_element_type=jnp.float32)
    h = h + lax.dot_general(me_ref[...], w1[:, N_FACTORS:],
                            (((1,), (1,)), ((), ())),
                            preferred_element_type=jnp.float32)
    h = jnp.maximum(h + b1_ref[0, :][None, :], 0.0)
    y = jnp.sum(h * w2_ref[0, :][None, :], axis=1, keepdims=True)
    y = y + b2_ref[0, 0]
    out_ref[...] = jax.nn.sigmoid(y) * (MAX_RATING - MIN_RATING + 1.0) + (
        MIN_RATING - 0.5)


def _tc_mlp(ue, me, W1, b1, W2, b2, blk=2048):
    grid = (BATCH // blk,)
    return pl.pallas_call(
        _mlp_body,
        grid=grid,
        in_specs=[
            pl.BlockSpec((blk, N_FACTORS), lambda i: (i, 0)),
            pl.BlockSpec((blk, N_FACTORS), lambda i: (i, 0)),
            pl.BlockSpec((HIDDEN, 2 * N_FACTORS), lambda i: (0, 0)),
            pl.BlockSpec((1, HIDDEN), lambda i: (0, 0)),
            pl.BlockSpec((1, HIDDEN), lambda i: (0, 0)),
            pl.BlockSpec((1, 1), lambda i: (0, 0), memory_space=pltpu.SMEM),
        ],
        out_specs=pl.BlockSpec((blk, 1), lambda i: (i, 0)),
        out_shape=jax.ShapeDtypeStruct((BATCH, 1), jnp.float32),
    )(ue, me, W1, b1, W2, b2)


@jax.jit
def kernel(user, movie, U, M, W1, b1, W2, b2):
    user = user.astype(jnp.int32)
    movie2d = movie.astype(jnp.int32).reshape(BATCH // IDX_CHUNK, IDX_CHUNK)
    me = _sc_gather_movie(movie2d, M)
    ue = _tc_gather_user(user, U)
    return _tc_mlp(ue, me, W1, b1.reshape(1, HIDDEN), W2, b2.reshape(1, 1))

# --- scband reference (transcript-rebuilt; emitter-appended) ---
"""Pipeline reference for scband-embedding-net-70677981823159 (READ-ONLY COPY).

The authoritative reference and input builder live on the scoring server;
editing this copy changes nothing except your own understanding.
"""

import jax, jax.numpy as jnp
import numpy as np

N_USERS = 1000000
N_MOVIES = 100000
N_FACTORS = 64
HIDDEN = 256
BATCH = 16384
MAX_RATING = 5.0
MIN_RATING = 0.5


def setup_inputs(seed: int = 0) -> dict:
    key = jax.random.key(seed)
    k_user, k_movie, k_u, k_m, k_w1, k_b1, k_w2, k_b2 = jax.random.split(key, 8)
    user = jax.random.randint(k_user, (BATCH,), 0, N_USERS, dtype=jnp.int64) if jax.config.jax_enable_x64 else jax.random.randint(k_user, (BATCH,), 0, N_USERS, dtype=jnp.int32)
    movie = jax.random.randint(k_movie, (BATCH,), 0, N_MOVIES, dtype=jnp.int32)
    # embedding tables initialized uniform(0, 0.05) as in the torch module
    U = jax.random.uniform(k_u, (N_USERS, N_FACTORS), dtype=jnp.float32, minval=0.0, maxval=0.05)
    M = jax.random.uniform(k_m, (N_MOVIES, N_FACTORS), dtype=jnp.float32, minval=0.0, maxval=0.05)
    # linear layers (kaiming-ish uniform like torch default)
    lim1 = 1.0 / np.sqrt(2 * N_FACTORS)
    W1 = jax.random.uniform(k_w1, (HIDDEN, 2 * N_FACTORS), dtype=jnp.float32, minval=-lim1, maxval=lim1)
    b1 = jax.random.uniform(k_b1, (HIDDEN,), dtype=jnp.float32, minval=-lim1, maxval=lim1)
    lim2 = 1.0 / np.sqrt(HIDDEN)
    W2 = jax.random.uniform(k_w2, (1, HIDDEN), dtype=jnp.float32, minval=-lim2, maxval=lim2)
    b2 = jax.random.uniform(k_b2, (1,), dtype=jnp.float32, minval=-lim2, maxval=lim2)
    return {"user": user, "movie": movie, "U": U, "M": M, "W1": W1, "b1": b1, "W2": W2, "b2": b2}


def reference(user, movie, U, M, W1, b1, W2, b2):
    # embedding lookups (gather)
    ue = jnp.take(U, user, axis=0)
    me = jnp.take(M, movie, axis=0)
    x = jnp.concatenate([ue, me], axis=1)
    # lin1: Dropout (eval/identity) -> Linear -> ReLU
    x = jax.nn.relu(x @ W1.T + b1)
    # lin2: Dropout (eval/identity) -> Linear
    x = x @ W2.T + b2
    return jax.nn.sigmoid(x) * (MAX_RATING - MIN_RATING + 1.0) + MIN_RATING - 0.5

if __name__ == "__main__":
    import jax
    _d = setup_inputs()
    print(jax.jit(kernel)(*tuple(_d.values())))

</pallas_src>

<mosaic_0001>
#map = affine_map<(d0, d1) -> (0, 0)>
module attributes {stable_mosaic.version = 14 : i64} {
  func.func @k(%arg0: i32, %arg1: i32, %arg2: memref<128x128xi32, #tpu.memory_space<hbm>>, %arg3: memref<100000x64xf32, #tpu.memory_space<hbm>>, %arg4: memref<16384x64xf32, #tpu.memory_space<hbm>>, %arg5: memref<4x128xi32, #tpu.memory_space<vmem>>, %arg6: memref<512x64xf32, #tpu.memory_space<vmem>>, %arg7: memref<!tpu.dma_semaphore, #tpu.memory_space<semaphore_mem>>) attributes {dimension_semantics = [#tpu.dimension_semantics<core_parallel>, #tpu.dimension_semantics<subcore_parallel>], iteration_bounds = array<i64: 2, 16>, scalar_prefetch = 0 : i64, scratch_operands = 3 : i64, tpu.core_type = #tpu.core_type<sc_vector_subcore>, window_params = [{transform_indices = #map}, {transform_indices = #map}, {transform_indices = #map}]} {
    %mul3A = arith.constant 2 : i32
    %mul3A_0 = arith.muli %arg1, %mul3A : i32
    %add3A = arith.addi %mul3A_0, %arg0 : i32
    %mul3A_1 = arith.constant 512 : i32
    %mul3A_2 = arith.muli %add3A, %mul3A_1 : i32
    %mul3A_3 = arith.constant 4 : i32
    %mul3A_4 = arith.muli %add3A, %mul3A_3 : i32
    "tpu.region"() ({
      %run_scoped3A = tpu.sem_alloc : memref<!tpu.dma_semaphore, #tpu.memory_space<semaphore_mem>>
      %dma_start3A_83 = arith.constant 0 : i32
      %dma_start3A_84 = tpu.memref_slice %arg2[%mul3A_4, %dma_start3A_83] : memref<128x128xi32, #tpu.memory_space<hbm>> -> memref<4x128xi32, #tpu.memory_space<hbm>>
      %dma_start3A_85 = arith.constant 0 : i32
      %dma_start3A_86 = tpu.memref_slice %arg2[%mul3A_4, %dma_start3A_85] : memref<128x128xi32, #tpu.memory_space<hbm>> -> memref<4x128xi32, #tpu.memory_space<hbm>>
      tpu.enqueue_dma source(%dma_start3A_86 : memref<4x128xi32, #tpu.memory_space<hbm>>) target(%arg5 : memref<4x128xi32, #tpu.memory_space<vmem>>) target_semaphore(%run_scoped3A : memref<!tpu.dma_semaphore, #tpu.memory_space<semaphore_mem>>)
      %dma_wait3A_87 = arith.constant 0 : i32
      %dma_wait3A_88 = tpu.memref_slice %arg2[%mul3A_4, %dma_wait3A_87] : memref<128x128xi32, #tpu.memory_space<hbm>> -> memref<4x128xi32, #tpu.memory_space<hbm>>
      %dma_wait3A_89 = arith.constant 0 : i32
      %dma_wait3A_90 = tpu.memref_slice %arg2[%mul3A_4, %dma_wait3A_89] : memref<128x128xi32, #tpu.memory_space<hbm>> -> memref<4x128xi32, #tpu.memory_space<hbm>>
      tpu.wait_dma2 semaphore(%run_scoped3A : memref<!tpu.dma_semaphore, #tpu.memory_space<semaphore_mem>>) src(%dma_wait3A_90 : memref<4x128xi32, #tpu.memory_space<hbm>>) dst(%arg5 : memref<4x128xi32, #tpu.memory_space<vmem>>)
      tpu.yield
    }) : () -> ()
    %dma_start3A = arith.constant 0 : i32
    %dma_start3A_5 = arith.constant 0 : i32
    %dma_start3A_6 = arith.constant 0 : i32
    %dma_start3A_7 = tpu.memref_slice %arg6[%dma_start3A_5, %dma_start3A_6] : memref<512x64xf32, #tpu.memory_space<vmem>> -> memref<128x64xf32, #tpu.memory_space<vmem>>
    %dma_start3A_8 = arith.constant 0 : i32
    %dma_start3A_9 = tpu.memref_slice %arg5[%dma_start3A, %dma_start3A_8] : memref<4x128xi32, #tpu.memory_space<vmem>> -> memref<1x128xi32, #tpu.memory_space<vmem>>
    %dma_start3A_10 = tpu.memref_squeeze %dma_start3A_9 : memref<1x128xi32, #tpu.memory_space<vmem>> -> memref<128xi32, #tpu.memory_space<vmem>>
    %dma_start3A_11 = arith.constant 0 : i32
    %dma_start3A_12 = arith.constant 0 : i32
    %dma_start3A_13 = tpu.memref_slice %arg3[%dma_start3A_11, %dma_start3A_12] : memref<100000x64xf32, #tpu.memory_space<hbm>> -> memref<100000x64xf32, #tpu.memory_space<hbm>>
    tpu.enqueue_indirect_dma source(%dma_start3A_13 : memref<100000x64xf32, #tpu.memory_space<hbm>>) target(%dma_start3A_7 : memref<128x64xf32, #tpu.memory_space<vmem>>) offsets(%dma_start3A_10 : memref<128xi32, #tpu.memory_space<vmem>>) semaphore(%arg7 : memref<!tpu.dma_semaphore, #tpu.memory_space<semaphore_mem>>)
    %dma_start3A_14 = arith.constant 1 : i32
    %dma_start3A_15 = arith.constant 128 : i32
    %dma_start3A_16 = arith.constant 0 : i32
    %dma_start3A_17 = tpu.memref_slice %arg6[%dma_start3A_15, %dma_start3A_16] : memref<512x64xf32, #tpu.memory_space<vmem>> -> memref<128x64xf32, #tpu.memory_space<vmem>>
    %dma_start3A_18 = arith.constant 0 : i32
    %dma_start3A_19 = tpu.memref_slice %arg5[%dma_start3A_14, %dma_start3A_18] : memref<4x128xi32, #tpu.memory_space<vmem>> -> memref<1x128xi32, #tpu.memory_space<vmem>>
    %dma_start3A_20 = tpu.memref_squeeze %dma_start3A_19 : memref<1x128xi32, #tpu.memory_space<vmem>> -> memref<128xi32, #tpu.memory_space<vmem>>
    %dma_start3A_21 = arith.constant 0 : i32
    %dma_start3A_22 = arith.constant 0 : i32
    %dma_start3A_23 = tpu.memref_slice %arg3[%dma_start3A_21, %dma_start3A_22] : memref<100000x64xf32, #tpu.memory_space<hbm>> -> memref<100000x64xf32, #tpu.memory_space<hbm>>
    tpu.enqueue_indirect_dma source(%dma_start3A_23 : memref<100000x64xf32, #tpu.memory_space<hbm>>) target(%dma_start3A_17 : memref<128x64xf32, #tpu.memory_space<vmem>>) offsets(%dma_start3A_20 : memref<128xi32, #tpu.memory_space<vmem>>) semaphore(%arg7 : memref<!tpu.dma_semaphore, #tpu.memory_space<semaphore_mem>>)
    %dma_start3A_24 = arith.constant 2 : i32
    %dma_start3A_25 = arith.constant 256 : i32
    %dma_start3A_26 = arith.constant 0 : i32
    %dma_start3A_27 = tpu.memref_slice %arg6[%dma_start3A_25, %dma_start3A_26] : memref<512x64xf32, #tpu.memory_space<vmem>> -> memref<128x64xf32, #tpu.memory_space<vmem>>
    %dma_start3A_28 = arith.constant 0 : i32
    %dma_start3A_29 = tpu.memref_slice %arg5[%dma_start3A_24, %dma_start3A_28] : memref<4x128xi32, #tpu.memory_space<vmem>> -> memref<1x128xi32, #tpu.memory_space<vmem>>
    %dma_start3A_30 = tpu.memref_squeeze %dma_start3A_29 : memref<1x128xi32, #tpu.memory_space<vmem>> -> memref<128xi32, #tpu.memory_space<vmem>>
    %dma_start3A_31 = arith.constant 0 : i32
    %dma_start3A_32 = arith.constant 0 : i32
    %dma_start3A_33 = tpu.memref_slice %arg3[%dma_start3A_31, %dma_start3A_32] : memref<100000x64xf32, #tpu.memory_space<hbm>> -> memref<100000x64xf32, #tpu.memory_space<hbm>>
    tpu.enqueue_indirect_dma source(%dma_start3A_33 : memref<100000x64xf32, #tpu.memory_space<hbm>>) target(%dma_start3A_27 : memref<128x64xf32, #tpu.memory_space<vmem>>) offsets(%dma_start3A_30 : memref<128xi32, #tpu.memory_space<vmem>>) semaphore(%arg7 : memref<!tpu.dma_semaphore, #tpu.memory_space<semaphore_mem>>)
    %dma_start3A_34 = arith.constant 3 : i32
    %dma_start3A_35 = arith.constant 384 : i32
    %dma_start3A_36 = arith.constant 0 : i32
    %dma_start3A_37 = tpu.memref_slice %arg6[%dma_start3A_35, %dma_start3A_36] : memref<512x64xf32, #tpu.memory_space<vmem>> -> memref<128x64xf32, #tpu.memory_space<vmem>>
    %dma_start3A_38 = arith.constant 0 : i32
    %dma_start3A_39 = tpu.memref_slice %arg5[%dma_start3A_34, %dma_start3A_38] : memref<4x128xi32, #tpu.memory_space<vmem>> -> memref<1x128xi32, #tpu.memory_space<vmem>>
    %dma_start3A_40 = tpu.memref_squeeze %dma_start3A_39 : memref<1x128xi32, #tpu.memory_space<vmem>> -> memref<128xi32, #tpu.memory_space<vmem>>
    %dma_start3A_41 = arith.constant 0 : i32
    %dma_start3A_42 = arith.constant 0 : i32
    %dma_start3A_43 = tpu.memref_slice %arg3[%dma_start3A_41, %dma_start3A_42] : memref<100000x64xf32, #tpu.memory_space<hbm>> -> memref<100000x64xf32, #tpu.memory_space<hbm>>
    tpu.enqueue_indirect_dma source(%dma_start3A_43 : memref<100000x64xf32, #tpu.memory_space<hbm>>) target(%dma_start3A_37 : memref<128x64xf32, #tpu.memory_space<vmem>>) offsets(%dma_start3A_40 : memref<128xi32, #tpu.memory_space<vmem>>) semaphore(%arg7 : memref<!tpu.dma_semaphore, #tpu.memory_space<semaphore_mem>>)
    %dma_wait3A = arith.constant 0 : i32
    %dma_wait3A_44 = arith.constant 0 : i32
    %dma_wait3A_45 = arith.constant 0 : i32
    %dma_wait3A_46 = tpu.memref_slice %arg6[%dma_wait3A_44, %dma_wait3A_45] : memref<512x64xf32, #tpu.memory_space<vmem>> -> memref<128x64xf32, #tpu.memory_space<vmem>>
    %dma_wait3A_47 = arith.constant 0 : i32
    %dma_wait3A_48 = tpu.memref_slice %arg5[%dma_wait3A, %dma_wait3A_47] : memref<4x128xi32, #tpu.memory_space<vmem>> -> memref<1x128xi32, #tpu.memory_space<vmem>>
    %dma_wait3A_49 = tpu.memref_squeeze %dma_wait3A_48 : memref<1x128xi32, #tpu.memory_space<vmem>> -> memref<128xi32, #tpu.memory_space<vmem>>
    %dma_wait3A_50 = arith.constant 0 : i32
    %dma_wait3A_51 = arith.constant 0 : i32
    %dma_wait3A_52 = tpu.memref_slice %arg3[%dma_wait3A_50, %dma_wait3A_51] : memref<100000x64xf32, #tpu.memory_space<hbm>> -> memref<100000x64xf32, #tpu.memory_space<hbm>>
    tpu.wait_indirect_dma semaphore(%arg7 : memref<!tpu.dma_semaphore, #tpu.memory_space<semaphore_mem>>) src(%dma_wait3A_52 : memref<100000x64xf32, #tpu.memory_space<hbm>>) dst(%dma_wait3A_46 : memref<128x64xf32, #tpu.memory_space<vmem>>)
    %dma_wait3A_53 = arith.constant 1 : i32
    %dma_wait3A_54 = arith.constant 128 : i32
    %dma_wait3A_55 = arith.constant 0 : i32
    %dma_wait3A_56 = tpu.memref_slice %arg6[%dma_wait3A_54, %dma_wait3A_55] : memref<512x64xf32, #tpu.memory_space<vmem>> -> memref<128x64xf32, #tpu.memory_space<vmem>>
    %dma_wait3A_57 = arith.constant 0 : i32
    %dma_wait3A_58 = tpu.memref_slice %arg5[%dma_wait3A_53, %dma_wait3A_57] : memref<4x128xi32, #tpu.memory_space<vmem>> -> memref<1x128xi32, #tpu.memory_space<vmem>>
    %dma_wait3A_59 = tpu.memref_squeeze %dma_wait3A_58 : memref<1x128xi32, #tpu.memory_space<vmem>> -> memref<128xi32, #tpu.memory_space<vmem>>
    %dma_wait3A_60 = arith.constant 0 : i32
    %dma_wait3A_61 = arith.constant 0 : i32
    %dma_wait3A_62 = tpu.memref_slice %arg3[%dma_wait3A_60, %dma_wait3A_61] : memref<100000x64xf32, #tpu.memory_space<hbm>> -> memref<100000x64xf32, #tpu.memory_space<hbm>>
    tpu.wait_indirect_dma semaphore(%arg7 : memref<!tpu.dma_semaphore, #tpu.memory_space<semaphore_mem>>) src(%dma_wait3A_62 : memref<100000x64xf32, #tpu.memory_space<hbm>>) dst(%dma_wait3A_56 : memref<128x64xf32, #tpu.memory_space<vmem>>)
    %dma_wait3A_63 = arith.constant 2 : i32
    %dma_wait3A_64 = arith.constant 256 : i32
    %dma_wait3A_65 = arith.constant 0 : i32
    %dma_wait3A_66 = tpu.memref_slice %arg6[%dma_wait3A_64, %dma_wait3A_65] : memref<512x64xf32, #tpu.memory_space<vmem>> -> memref<128x64xf32, #tpu.memory_space<vmem>>
    %dma_wait3A_67 = arith.constant 0 : i32
    %dma_wait3A_68 = tpu.memref_slice %arg5[%dma_wait3A_63, %dma_wait3A_67] : memref<4x128xi32, #tpu.memory_space<vmem>> -> memref<1x128xi32, #tpu.memory_space<vmem>>
    %dma_wait3A_69 = tpu.memref_squeeze %dma_wait3A_68 : memref<1x128xi32, #tpu.memory_space<vmem>> -> memref<128xi32, #tpu.memory_space<vmem>>
    %dma_wait3A_70 = arith.constant 0 : i32
    %dma_wait3A_71 = arith.constant 0 : i32
    %dma_wait3A_72 = tpu.memref_slice %arg3[%dma_wait3A_70, %dma_wait3A_71] : memref<100000x64xf32, #tpu.memory_space<hbm>> -> memref<100000x64xf32, #tpu.memory_space<hbm>>
    tpu.wait_indirect_dma semaphore(%arg7 : memref<!tpu.dma_semaphore, #tpu.memory_space<semaphore_mem>>) src(%dma_wait3A_72 : memref<100000x64xf32, #tpu.memory_space<hbm>>) dst(%dma_wait3A_66 : memref<128x64xf32, #tpu.memory_space<vmem>>)
    %dma_wait3A_73 = arith.constant 3 : i32
    %dma_wait3A_74 = arith.constant 384 : i32
    %dma_wait3A_75 = arith.constant 0 : i32
    %dma_wait3A_76 = tpu.memref_slice %arg6[%dma_wait3A_74, %dma_wait3A_75] : memref<512x64xf32, #tpu.memory_space<vmem>> -> memref<128x64xf32, #tpu.memory_space<vmem>>
    %dma_wait3A_77 = arith.constant 0 : i32
    %dma_wait3A_78 = tpu.memref_slice %arg5[%dma_wait3A_73, %dma_wait3A_77] : memref<4x128xi32, #tpu.memory_space<vmem>> -> memref<1x128xi32, #tpu.memory_space<vmem>>
    %dma_wait3A_79 = tpu.memref_squeeze %dma_wait3A_78 : memref<1x128xi32, #tpu.memory_space<vmem>> -> memref<128xi32, #tpu.memory_space<vmem>>
    %dma_wait3A_80 = arith.constant 0 : i32
    %dma_wait3A_81 = arith.constant 0 : i32
    %dma_wait3A_82 = tpu.memref_slice %arg3[%dma_wait3A_80, %dma_wait3A_81] : memref<100000x64xf32, #tpu.memory_space<hbm>> -> memref<100000x64xf32, #tpu.memory_space<hbm>>
    tpu.wait_indirect_dma semaphore(%arg7 : memref<!tpu.dma_semaphore, #tpu.memory_space<semaphore_mem>>) src(%dma_wait3A_82 : memref<100000x64xf32, #tpu.memory_space<hbm>>) dst(%dma_wait3A_76 : memref<128x64xf32, #tpu.memory_space<vmem>>)
    "tpu.region"() ({
      %run_scoped3A = tpu.sem_alloc : memref<!tpu.dma_semaphore, #tpu.memory_space<semaphore_mem>>
      %dma_start3A_83 = arith.constant 0 : i32
      %dma_start3A_84 = tpu.memref_slice %arg4[%mul3A_2, %dma_start3A_83] : memref<16384x64xf32, #tpu.memory_space<hbm>> -> memref<512x64xf32, #tpu.memory_space<hbm>>
      %dma_start3A_85 = arith.constant 0 : i32
      %dma_start3A_86 = tpu.memref_slice %arg4[%mul3A_2, %dma_start3A_85] : memref<16384x64xf32, #tpu.memory_space<hbm>> -> memref<512x64xf32, #tpu.memory_space<hbm>>
      tpu.enqueue_dma source(%arg6 : memref<512x64xf32, #tpu.memory_space<vmem>>) target(%dma_start3A_86 : memref<512x64xf32, #tpu.memory_space<hbm>>) target_semaphore(%run_scoped3A : memref<!tpu.dma_semaphore, #tpu.memory_space<semaphore_mem>>)
      %dma_wait3A_87 = arith.constant 0 : i32
      %dma_wait3A_88 = tpu.memref_slice %arg4[%mul3A_2, %dma_wait3A_87] : memref<16384x64xf32, #tpu.memory_space<hbm>> -> memref<512x64xf32, #tpu.memory_space<hbm>>
      %dma_wait3A_89 = arith.constant 0 : i32
      %dma_wait3A_90 = tpu.memref_slice %arg4[%mul3A_2, %dma_wait3A_89] : memref<16384x64xf32, #tpu.memory_space<hbm>> -> memref<512x64xf32, #tpu.memory_space<hbm>>
      tpu.wait_dma2 semaphore(%run_scoped3A : memref<!tpu.dma_semaphore, #tpu.memory_space<semaphore_mem>>) src(%arg6 : memref<512x64xf32, #tpu.memory_space<vmem>>) dst(%dma_wait3A_90 : memref<512x64xf32, #tpu.memory_space<hbm>>)
      tpu.yield
    }) : () -> ()
    return
  }
}

module attributes {stable_mosaic.version = 14 : i64} {
  func.func @_ug_body(%arg0: i32, %arg1: memref<16384xi32, #tpu.memory_space<smem>>, %arg2: memref<1000000x64xf32, #tpu.memory_space<hbm>>, %arg3: memref<256x64xf32, #tpu.memory_space<vmem>>, %arg4: memref<2x256x64xf32, #tpu.memory_space<vmem>>, %arg5: memref<2x!tpu.dma_semaphore, #tpu.memory_space<semaphore_mem>>) attributes {dimension_semantics = [#tpu.dimension_semantics<arbitrary>], iteration_bounds = array<i64: 64>, scalar_prefetch = 1 : i64, scratch_operands = 2 : i64, tpu.core_type = #tpu.core_type<tc>, window_params = [{}, {transform_indices = @transform_1, window_bounds = array<i64: 256, 64>}]} {
    %rem3A = arith.constant 2 : i32
    %rem3A_0 = arith.remsi %arg0, %rem3A : i32
    %add3A = arith.constant 1 : i32
    %add3A_1 = arith.addi %arg0, %add3A : i32
    %rem3A_2 = arith.constant 2 : i32
    %rem3A_3 = arith.remsi %add3A_1, %rem3A_2 : i32
    %eq3A = arith.constant 0 : i32
    %eq3A_4 = arith.cmpi eq, %arg0, %eq3A : i32
    %convert_element_type3A = arith.extui %eq3A_4 : i1 to i32
    %cond3A = arith.constant 0 : i32
    %cond3A_5 = arith.cmpi ne, %convert_element_type3A, %cond3A : i32
    scf.if %cond3A_5 {
      %scan3A = arith.constant 0 : i32
      %scan3A_26 = arith.constant 256 : i32
      %scan3A_27 = arith.addi %scan3A, %scan3A_26 : i32
      %scan3A_28 = arith.constant 32 : i32
      scf.for %scan3A_30 = %scan3A to %scan3A_27 step %scan3A_28  : i32 {
        %mul3A = arith.constant 256 : i32
        %mul3A_31 = arith.muli %arg0, %mul3A : i32
        %add3A_32 = arith.addi %mul3A_31, %scan3A_30 : i32
        %get3A_33 = arith.index_cast %add3A_32 : i32 to index
        %get3A_34 = memref.load %arg1[%get3A_33] : memref<16384xi32, #tpu.memory_space<smem>>
        %dma_start3A = tpu.memref_slice %arg5[%rem3A_0] : memref<2x!tpu.dma_semaphore, #tpu.memory_space<semaphore_mem>> -> memref<1x!tpu.dma_semaphore, #tpu.memory_space<semaphore_mem>>
        %dma_start3A_35 = tpu.memref_squeeze %dma_start3A : memref<1x!tpu.dma_semaphore, #tpu.memory_space<semaphore_mem>> -> memref<!tpu.dma_semaphore, #tpu.memory_space<semaphore_mem>>
        %dma_start3A_36 = arith.constant 0 : i32
        %dma_start3A_37 = tpu.memref_slice %arg4[%rem3A_0, %scan3A_30, %dma_start3A_36] : memref<2x256x64xf32, #tpu.memory_space<vmem>> -> memref<1x1x64xf32, #tpu.memory_space<vmem>>
        %dma_start3A_38 = tpu.memref_squeeze %dma_start3A_37 : memref<1x1x64xf32, #tpu.memory_space<vmem>> -> memref<1x64xf32, #tpu.memory_space<vmem>>
        %dma_start3A_39 = arith.constant 0 : i32
        %dma_start3A_40 = tpu.memref_slice %arg2[%get3A_34, %dma_start3A_39] : memref<1000000x64xf32, #tpu.memory_space<hbm>> -> memref<1x64xf32, #tpu.memory_space<hbm>>
        tpu.enqueue_dma source(%dma_start3A_40 : memref<1x64xf32, #tpu.memory_space<hbm>>) target(%dma_start3A_38 : memref<1x64xf32, #tpu.memory_space<vmem>>) target_semaphore(%dma_start3A_35 : memref<!tpu.dma_semaphore, #tpu.memory_space<semaphore_mem>>)
        %scan3A_41 = arith.constant 1 : i32
        %scan3A_42 = arith.addi %scan3A_30, %scan3A_41 : i32
        %mul3A_43 = arith.constant 256 : i32
        %mul3A_44 = arith.muli %arg0, %mul3A_43 : i32
        %add3A_45 = arith.addi %mul3A_44, %scan3A_42 : i32
        %get3A_46 = arith.index_cast %add3A_45 : i32 to index
        %get3A_47 = memref.load %arg1[%get3A_46] : memref<16384xi32, #tpu.memory_space<smem>>
        %dma_start3A_48 = tpu.memref_slice %arg5[%rem3A_0] : memref<2x!tpu.dma_semaphore, #tpu.memory_space<semaphore_mem>> -> memref<1x!tpu.dma_semaphore, #tpu.memory_space<semaphore_mem>>
        %dma_start3A_49 = tpu.memref_squeeze %dma_start3A_48 : memref<1x!tpu.dma_semaphore, #tpu.memory_space<semaphore_mem>> -> memref<!tpu.dma_semaphore, #tpu.memory_space<semaphore_mem>>
        %dma_start3A_50 = arith.constant 0 : i32
        %dma_start3A_51 = tpu.memref_slice %arg4[%rem3A_0, %scan3A_42, %dma_start3A_50] : memref<2x256x64xf32, #tpu.memory_space<vmem>> -> memref<1x1x64xf32, #tpu.memory_space<vmem>>
        %dma_start3A_52 = tpu.memref_squeeze %dma_start3A_51 : memref<1x1x64xf32, #tpu.memory_space<vmem>> -> memref<1x64xf32, #tpu.memory_space<vmem>>
        %dma_start3A_53 = arith.constant 0 : i32
        %dma_start3A_54 = tpu.memref_slice %arg2[%get3A_47, %dma_start3A_53] : memref<1000000x64xf32, #tpu.memory_space<hbm>> -> memref<1x64xf32, #tpu.memory_space<hbm>>
        tpu.enqueue_dma source(%dma_start3A_54 : memref<1x64xf32, #tpu.memory_space<hbm>>) target(%dma_start3A_52 : memref<1x64xf32, #tpu.memory_space<vmem>>) target_semaphore(%dma_start3A_49 : memref<!tpu.dma_semaphore, #tpu.memory_space<semaphore_mem>>)
        %scan3A_55 = arith.constant 2 : i32
        %scan3A_56 = arith.addi %scan3A_30, %scan3A_55 : i32
        %mul3A_57 = arith.constant 256 : i32
        %mul3A_58 = arith.muli %arg0, %mul3A_57 : i32
        %add3A_59 = arith.addi %mul3A_58, %scan3A_56 : i32
        %get3A_60 = arith.index_cast %add3A_59 : i32 to index
        %get3A_61 = memref.load %arg1[%get3A_60] : memref<16384xi32, #tpu.memory_space<smem>>
        %dma_start3A_62 = tpu.memref_slice %arg5[%rem3A_0] : memref<2x!tpu.dma_semaphore, #tpu.memory_space<semaphore_mem>> -> memref<1x!tpu.dma_semaphore, #tpu.memory_space<semaphore_mem>>
        %dma_start3A_63 = tpu.memref_squeeze %dma_start3A_62 : memref<1x!tpu.dma_semaphore, #tpu.memory_space<semaphore_mem>> -> memref<!tpu.dma_semaphore, #tpu.memory_space<semaphore_mem>>
        %dma_start3A_64 = arith.constant 0 : i32
        %dma_start3A_65 = tpu.memref_slice %arg4[%rem3A_0, %scan3A_56, %dma_start3A_64] : memref<2x256x64xf32, #tpu.memory_space<vmem>> -> memref<1x1x64xf32, #tpu.memory_space<vmem>>
        %dma_start3A_66 = tpu.memref_squeeze %dma_start3A_65 : memref<1x1x64xf32, #tpu.memory_space<vmem>> -> memref<1x64xf32, #tpu.memory_space<vmem>>
        %dma_start3A_67 = arith.constant 0 : i32
        %dma_start3A_68 = tpu.memref_slice %arg2[%get3A_61, %dma_start3A_67] : memref<1000000x64xf32, #tpu.memory_space<hbm>> -> memref<1x64xf32, #tpu.memory_space<hbm>>
        tpu.enqueue_dma source(%dma_start3A_68 : memref<1x64xf32, #tpu.memory_space<hbm>>) target(%dma_start3A_66 : memref<1x64xf32, #tpu.memory_space<vmem>>) target_semaphore(%dma_start3A_63 : memref<!tpu.dma_semaphore, #tpu.memory_space<semaphore_mem>>)
        %scan3A_69 = arith.constant 3 : i32
        %scan3A_70 = arith.addi %scan3A_30, %scan3A_69 : i32
        %mul3A_71 = arith.constant 256 : i32
        %mul3A_72 = arith.muli %arg0, %mul3A_71 : i32
        %add3A_73 = arith.addi %mul3A_72, %scan3A_70 : i32
        %get3A_74 = arith.index_cast %add3A_73 : i32 to index
        %get3A_75 = memref.load %arg1[%get3A_74] : memref<16384xi32, #tpu.memory_space<smem>>
        %dma_start3A_76 = tpu.memref_slice %arg5[%rem3A_0] : memref<2x!tpu.dma_semaphore, #tpu.memory_space<semaphore_mem>> -> memref<1x!tpu.dma_semaphore, #tpu.memory_space<semaphore_mem>>
        %dma_start3A_77 = tpu.memref_squeeze %dma_start3A_76 : memref<1x!tpu.dma_semaphore, #tpu.memory_space<semaphore_mem>> -> memref<!tpu.dma_semaphore, #tpu.memory_space<semaphore_mem>>
        %dma_start3A_78 = arith.constant 0 : i32
        %dma_start3A_79 = tpu.memref_slice %arg4[%rem3A_0, %scan3A_70, %dma_start3A_78] : memref<2x256x64xf32, #tpu.memory_space<vmem>> -> memref<1x1x64xf32, #tpu.memory_space<vmem>>
        %dma_start3A_80 = tpu.memref_squeeze %dma_start3A_79 : memref<1x1x64xf32, #tpu.memory_space<vmem>> -> memref<1x64xf32, #tpu.memory_space<vmem>>
        %dma_start3A_81 = arith.constant 0 : i32
        %dma_start3A_82 = tpu.memref_slice %arg2[%get3A_75, %dma_start3A_81] : memref<1000000x64xf32, #tpu.memory_space<hbm>> -> memref<1x64xf32, #tpu.memory_space<hbm>>
        tpu.enqueue_dma source(%dma_start3A_82 : memref<1x64xf32, #tpu.memory_space<hbm>>) target(%dma_start3A_80 : memref<1x64xf32, #tpu.memory_space<vmem>>) target_semaphore(%dma_start3A_77 : memref<!tpu.dma_semaphore, #tpu.memory_space<semaphore_mem>>)
        %scan3A_83 = arith.constant 4 : i32
        %scan3A_84 = arith.addi %scan3A_30, %scan3A_83 : i32
        %mul3A_85 = arith.constant 256 : i32
        %mul3A_86 = arith.muli %arg0, %mul3A_85 : i32
        %add3A_87 = arith.addi %mul3A_86, %scan3A_84 : i32
        %get3A_88 = arith.index_cast %add3A_87 : i32 to index
        %get3A_89 = memref.load %arg1[%get3A_88] : memref<16384xi32, #tpu.memory_space<smem>>
        %dma_start3A_90 = tpu.memref_slice %arg5[%rem3A_0] : memref<2x!tpu.dma_semaphore, #tpu.memory_space<semaphore_mem>> -> memref<1x!tpu.dma_semaphore, #tpu.memory_space<semaphore_mem>>
        %dma_start3A_91 = tpu.memref_squeeze %dma_start3A_90 : memref<1x!tpu.dma_semaphore, #tpu.memory_space<semaphore_mem>> -> memref<!tpu.dma_semaphore, #tpu.memory_space<semaphore_mem>>
        %dma_start3A_92 = arith.constant 0 : i32
        %dma_start3A_93 = tpu.memref_slice %arg4[%rem3A_0, %scan3A_84, %dma_start3A_92] : memref<2x256x64xf32, #tpu.memory_space<vmem>> -> memref<1x1x64xf32, #tpu.memory_space<vmem>>
        %dma_start3A_94 = tpu.memref_squeeze %dma_start3A_93 : memref<1x1x64xf32, #tpu.memory_space<vmem>> -> memref<1x64xf32, #tpu.memory_space<vmem>>
        %dma_start3A_95 = arith.constant 0 : i32
        %dma_start3A_96 = tpu.memref_slice %arg2[%get3A_89, %dma_start3A_95] : memref<1000000x64xf32, #tpu.memory_space<hbm>> -> memref<1x64xf32, #tpu.memory_space<hbm>>
        tpu.enqueue_dma source(%dma_start3A_96 : memref<1x64xf32, #tpu.memory_space<hbm>>) target(%dma_start3A_94 : memref<1x64xf32, #tpu.memory_space<vmem>>) target_semaphore(%dma_start3A_91 : memref<!tpu.dma_semaphore, #tpu.memory_space<semaphore_mem>>)
        %scan3A_97 = arith.constant 5 : i32
        %scan3A_98 = arith.addi %scan3A_30, %scan3A_97 : i32
        %mul3A_99 = arith.constant 256 : i32
        %mul3A_100 = arith.muli %arg0, %mul3A_99 : i32
        %add3A_101 = arith.addi %mul3A_100, %scan3A_98 : i32
        %get3A_102 = arith.index_cast %add3A_101 : i32 to index
        %get3A_103 = memref.load %arg1[%get3A_102] : memref<16384xi32, #tpu.memory_space<smem>>
        %dma_start3A_104 = tpu.memref_slice %arg5[%rem3A_0] : memref<2x!tpu.dma_semaphore, #tpu.memory_space<semaphore_mem>> -> memref<1x!tpu.dma_semaphore, #tpu.memory_space<semaphore_mem>>
        %dma_start3A_105 = tpu.memref_squeeze %dma_start3A_104 : memref<1x!tpu.dma_semaphore, #tpu.memory_space<semaphore_mem>> -> memref<!tpu.dma_semaphore, #tpu.memory_space<semaphore_mem>>
        %dma_start3A_106 = arith.constant 0 : i32
        %dma_start3A_107 = tpu.memref_slice %arg4[%rem3A_0, %scan3A_98, %dma_start3A_106] : memref<2x256x64xf32, #tpu.memory_space<vmem>> -> memref<1x1x64xf32, #tpu.memory_space<vmem>>
        %dma_start3A_108 = tpu.memref_squeeze %dma_start3A_107 : memref<1x1x64xf32, #tpu.memory_space<vmem>> -> memref<1x64xf32, #tpu.memory_space<vmem>>
        %dma_start3A_109 = arith.constant 0 : i32
        %dma_start3A_110 = tpu.memref_slice %arg2[%get3A_103, %dma_start3A_109] : memref<1000000x64xf32, #tpu.memory_space<hbm>> -> memref<1x64xf32, #tpu.memory_space<hbm>>
        tpu.enqueue_dma source(%dma_start3A_110 : memref<1x64xf32, #tpu.memory_space<hbm>>) target(%dma_start3A_108 : memref<1x64xf32, #tpu.memory_space<vmem>>) target_semaphore(%dma_start3A_105 : memref<!tpu.dma_semaphore, #tpu.memory_space<semaphore_mem>>)
        %scan3A_111 = arith.constant 6 : i32
        %scan3A_112 = arith.addi %scan3A_30, %scan3A_111 : i32
        %mul3A_113 = arith.constant 256 : i32
        %mul3A_114 = arith.muli %arg0, %mul3A_113 : i32
        %add3A_115 = arith.addi %mul3A_114, %scan3A_112 : i32
        %get3A_116 = arith.index_cast %add3A_115 : i32 to index
        %get3A_117 = memref.load %arg1[%get3A_116] : memref<16384xi32, #tpu.memory_space<smem>>
        %dma_start3A_118 = tpu.memref_slice %arg5[%rem3A_0] : memref<2x!tpu.dma_semaphore, #tpu.memory_space<semaphore_mem>> -> memref<1x!tpu.dma_semaphore, #tpu.memory_space<semaphore_mem>>
        %dma_start3A_119 = tpu.memref_squeeze %dma_start3A_118 : memref<1x!tpu.dma_semaphore, #tpu.memory_space<semaphore_mem>> -> memref<!tpu.dma_semaphore, #tpu.memory_space<semaphore_mem>>
        %dma_start3A_120 = arith.constant 0 : i32
        %dma_start3A_121 = tpu.memref_slice %arg4[%rem3A_0, %scan3A_112, %dma_start3A_120] : memref<2x256x64xf32, #tpu.memory_space<vmem>> -> memref<1x1x64xf32, #tpu.memory_space<vmem>>
        %dma_start3A_122 = tpu.memref_squeeze %dma_start3A_121 : memref<1x1x64xf32, #tpu.memory_space<vmem>> -> memref<1x64xf32, #tpu.memory_space<vmem>>
        %dma_start3A_123 = arith.constant 0 : i32
        %dma_start3A_124 = tpu.memref_slice %arg2[%get3A_117, %dma_start3A_123] : memref<1000000x64xf32, #tpu.memory_space<hbm>> -> memref<1x64xf32, #tpu.memory_space<hbm>>
        tpu.enqueue_dma source(%dma_start3A_124 : memref<1x64xf32, #tpu.memory_space<hbm>>) target(%dma_start3A_122 : memref<1x64xf32, #tpu.memory_space<vmem>>) target_semaphore(%dma_start3A_119 : memref<!tpu.dma_semaphore, #tpu.memory_space<semaphore_mem>>)
        %scan3A_125 = arith.constant 7 : i32
        %scan3A_126 = arith.addi %scan3A_30, %scan3A_125 : i32
        %mul3A_127 = arith.constant 256 : i32
        %mul3A_128 = arith.muli %arg0, %mul3A_127 : i32
        %add3A_129 = arith.addi %mul3A_128, %scan3A_126 : i32
        %get3A_130 = arith.index_cast %add3A_129 : i32 to index
        %get3A_131 = memref.load %arg1[%get3A_130] : memref<16384xi32, #tpu.memory_space<smem>>
        %dma_start3A_132 = tpu.memref_slice %arg5[%rem3A_0] : memref<2x!tpu.dma_semaphore, #tpu.memory_space<semaphore_mem>> -> memref<1x!tpu.dma_semaphore, #tpu.memory_space<semaphore_mem>>
        %dma_start3A_133 = tpu.memref_squeeze %dma_start3A_132 : memref<1x!tpu.dma_semaphore, #tpu.memory_space<semaphore_mem>> -> memref<!tpu.dma_semaphore, #tpu.memory_space<semaphore_mem>>
        %dma_start3A_134 = arith.constant 0 : i32
        %dma_start3A_135 = tpu.memref_slice %arg4[%rem3A_0, %scan3A_126, %dma_start3A_134] : memref<2x256x64xf32, #tpu.memory_space<vmem>> -> memref<1x1x64xf32, #tpu.memory_space<vmem>>
        %dma_start3A_136 = tpu.memref_squeeze %dma_start3A_135 : memref<1x1x64xf32, #tpu.memory_space<vmem>> -> memref<1x64xf32, #tpu.memory_space<vmem>>
        %dma_start3A_137 = arith.constant 0 : i32
        %dma_start3A_138 = tpu.memref_slice %arg2[%get3A_131, %dma_start3A_137] : memref<1000000x64xf32, #tpu.memory_space<hbm>> -> memref<1x64xf32, #tpu.memory_space<hbm>>
        tpu.enqueue_dma source(%dma_start3A_138 : memref<1x64xf32, #tpu.memory_space<hbm>>) target(%dma_start3A_136 : memref<1x64xf32, #tpu.memory_space<vmem>>) target_semaphore(%dma_start3A_133 : memref<!tpu.dma_semaphore, #tpu.memory_space<semaphore_mem>>)
        %scan3A_139 = arith.constant 8 : i32
        %scan3A_140 = arith.addi %scan3A_30, %scan3A_139 : i32
        %mul3A_141 = arith.constant 256 : i32
        %mul3A_142 = arith.muli %arg0, %mul3A_141 : i32
        %add3A_143 = arith.addi %mul3A_142, %scan3A_140 : i32
        %get3A_144 = arith.index_cast %add3A_143 : i32 to index
        %get3A_145 = memref.load %arg1[%get3A_144] : memref<16384xi32, #tpu.memory_space<smem>>
        %dma_start3A_146 = tpu.memref_slice %arg5[%rem3A_0] : memref<2x!tpu.dma_semaphore, #tpu.memory_space<semaphore_mem>> -> memref<1x!tpu.dma_semaphore, #tpu.memory_space<semaphore_mem>>
        %dma_start3A_147 = tpu.memref_squeeze %dma_start3A_146 : memref<1x!tpu.dma_semaphore, #tpu.memory_space<semaphore_mem>> -> memref<!tpu.dma_semaphore, #tpu.memory_space<semaphore_mem>>
        %dma_start3A_148 = arith.constant 0 : i32
        %dma_start3A_149 = tpu.memref_slice %arg4[%rem3A_0, %scan3A_140, %dma_start3A_148] : memref<2x256x64xf32, #tpu.memory_space<vmem>> -> memref<1x1x64xf32, #tpu.memory_space<vmem>>
        %dma_start3A_150 = tpu.memref_squeeze %dma_start3A_149 : memref<1x1x64xf32, #tpu.memory_space<vmem>> -> memref<1x64xf32, #tpu.memory_space<vmem>>
        %dma_start3A_151 = arith.constant 0 : i32
        %dma_start3A_152 = tpu.memref_slice %arg2[%get3A_145, %dma_start3A_151] : memref<1000000x64xf32, #tpu.memory_space<hbm>> -> memref<1x64xf32, #tpu.memory_space<hbm>>
        tpu.enqueue_dma source(%dma_start3A_152 : memref<1x64xf32, #tpu.memory_space<hbm>>) target(%dma_start3A_150 : memref<1x64xf32, #tpu.memory_space<vmem>>) target_semaphore(%dma_start3A_147 : memref<!tpu.dma_semaphore, #tpu.memory_space<semaphore_mem>>)
        %scan3A_153 = arith.constant 9 : i32
        %scan3A_154 = arith.addi %scan3A_30, %scan3A_153 : i32
        %mul3A_155 = arith.constant 256 : i32
        %mul3A_156 = arith.muli %arg0, %mul3A_155 : i32
        %add3A_157 = arith.addi %mul3A_156, %scan3A_154 : i32
        %get3A_158 = arith.index_cast %add3A_157 : i32 to index
        %get3A_159 = memref.load %arg1[%get3A_158] : memref<16384xi32, #tpu.memory_space<smem>>
        %dma_start3A_160 = tpu.memref_slice %arg5[%rem3A_0] : memref<2x!tpu.dma_semaphore, #tpu.memory_space<semaphore_mem>> -> memref<1x!tpu.dma_semaphore, #tpu.memory_space<semaphore_mem>>
        %dma_start3A_161 = tpu.memref_squeeze %dma_start3A_160 : memref<1x!tpu.dma_semaphore, #tpu.memory_space<semaphore_mem>> -> memref<!tpu.dma_semaphore, #tpu.memory_space<semaphore_mem>>
        %dma_start3A_162 = arith.constant 0 : i32
        %dma_start3A_163 = tpu.memref_slice %arg4[%rem3A_0, %scan3A_154, %dma_start3A_162] : memref<2x256x64xf32, #tpu.memory_space<vmem>> -> memref<1x1x64xf32, #tpu.memory_space<vmem>>
        %dma_start3A_164 = tpu.memref_squeeze %dma_start3A_163 : memref<1x1x64xf32, #tpu.memory_space<vmem>> -> memref<1x64xf32, #tpu.memory_space<vmem>>
        %dma_start3A_165 = arith.constant 0 : i32
        %dma_start3A_166 = tpu.memref_slice %arg2[%get3A_159, %dma_start3A_165] : memref<1000000x64xf32, #tpu.memory_space<hbm>> -> memref<1x64xf32, #tpu.memory_space<hbm>>
        tpu.enqueue_dma source(%dma_start3A_166 : memref<1x64xf32, #tpu.memory_space<hbm>>) target(%dma_start3A_164 : memref<1x64xf32, #tpu.memory_space<vmem>>) target_semaphore(%dma_start3A_161 : memref<!tpu.dma_semaphore, #tpu.memory_space<semaphore_mem>>)
        %scan3A_167 = arith.constant 10 : i32
        %scan3A_168 = arith.addi %scan3A_30, %scan3A_167 : i32
        %mul3A_169 = arith.constant 256 : i32
        %mul3A_170 = arith.muli %arg0, %mul3A_169 : i32
        %add3A_171 = arith.addi %mul3A_170, %scan3A_168 : i32
        %get3A_172 = arith.index_cast %add3A_171 : i32 to index
        %get3A_173 = memref.load %arg1[%get3A_172] : memref<16384xi32, #tpu.memory_space<smem>>
        %dma_start3A_174 = tpu.memref_slice %arg5[%rem3A_0] : memref<2x!tpu.dma_semaphore, #tpu.memory_space<semaphore_mem>> -> memref<1x!tpu.dma_semaphore, #tpu.memory_space<semaphore_mem>>
        %dma_start3A_175 = tpu.memref_squeeze %dma_start3A_174 : memref<1x!tpu.dma_semaphore, #tpu.memory_space<semaphore_mem>> -> memref<!tpu.dma_semaphore, #tpu.memory_space<semaphore_mem>>
        %dma_start3A_176 = arith.constant 0 : i32
        %dma_start3A_177 = tpu.memref_slice %arg4[%rem3A_0, %scan3A_168, %dma_start3A_176] : memref<2x256x64xf32, #tpu.memory_space<vmem>> -> memref<1x1x64xf32, #tpu.memory_space<vmem>>
        %dma_start3A_178 = tpu.memref_squeeze %dma_start3A_177 : memref<1x1x64xf32, #tpu.memory_space<vmem>> -> memref<1x64xf32, #tpu.memory_space<vmem>>
        %dma_start3A_179 = arith.constant 0 : i32
        %dma_start3A_180 = tpu.memref_slice %arg2[%get3A_173, %dma_start3A_179] : memref<1000000x64xf32, #tpu.memory_space<hbm>> -> memref<1x64xf32, #tpu.memory_space<hbm>>
        tpu.enqueue_dma source(%dma_start3A_180 : memref<1x64xf32, #tpu.memory_space<hbm>>) target(%dma_start3A_178 : memref<1x64xf32, #tpu.memory_space<vmem>>) target_semaphore(%dma_start3A_175 : memref<!tpu.dma_semaphore, #tpu.memory_space<semaphore_mem>>)
        %scan3A_181 = arith.constant 11 : i32
        %scan3A_182 = arith.addi %scan3A_30, %scan3A_181 : i32
        %mul3A_183 = arith.constant 256 : i32
        %mul3A_184 = arith.muli %arg0, %mul3A_183 : i32
        %add3A_185 = arith.addi %mul3A_184, %scan3A_182 : i32
        %get3A_186 = arith.index_cast %add3A_185 : i32 to index
        %get3A_187 = memref.load %arg1[%get3A_186] : memref<16384xi32, #tpu.memory_space<smem>>
        %dma_start3A_188 = tpu.memref_slice %arg5[%rem3A_0] : memref<2x!tpu.dma_semaphore, #tpu.memory_space<semaphore_mem>> -> memref<1x!tpu.dma_semaphore, #tpu.memory_space<semaphore_mem>>
        %dma_start3A_189 = tpu.memref_squeeze %dma_start3A_188 : memref<1x!tpu.dma_semaphore, #tpu.memory_space<semaphore_mem>> -> memref<!tpu.dma_semaphore, #tpu.memory_space<semaphore_mem>>
        %dma_start3A_190 = arith.constant 0 : i32
        %dma_start3A_191 = tpu.memref_slice %arg4[%rem3A_0, %scan3A_182, %dma_start3A_190] : memref<2x256x64xf32, #tpu.memory_space<vmem>> -> memref<1x1x64xf32, #tpu.memory_space<vmem>>
        %dma_start3A_192 = tpu.memref_squeeze %dma_start3A_191 : memref<1x1x64xf32, #tpu.memory_space<vmem>> -> memref<1x64xf32, #tpu.memory_space<vmem>>
        %dma_start3A_193 = arith.constant 0 : i32
        %dma_start3A_194 = tpu.memref_slice %arg2[%get3A_187, %dma_start3A_193] : memref<1000000x64xf32, #tpu.memory_space<hbm>> -> memref<1x64xf32, #tpu.memory_space<hbm>>
        tpu.enqueue_dma source(%dma_start3A_194 : memref<1x64xf32, #tpu.memory_space<hbm>>) target(%dma_start3A_192 : memref<1x64xf32, #tpu.memory_space<vmem>>) target_semaphore(%dma_start3A_189 : memref<!tpu.dma_semaphore, #tpu.memory_space<semaphore_mem>>)
        %scan3A_195 = arith.constant 12 : i32
        %scan3A_196 = arith.addi %scan3A_30, %scan3A_195 : i32
        %mul3A_197 = arith.constant 256 : i32
        %mul3A_198 = arith.muli %arg0, %mul3A_197 : i32
        %add3A_199 = arith.addi %mul3A_198, %scan3A_196 : i32
        %get3A_200 = arith.index_cast %add3A_199 : i32 to index
        %get3A_201 = memref.load %arg1[%get3A_200] : memref<16384xi32, #tpu.memory_space<smem>>
        %dma_start3A_202 = tpu.memref_slice %arg5[%rem3A_0] : memref<2x!tpu.dma_semaphore, #tpu.memory_space<semaphore_mem>> -> memref<1x!tpu.dma_semaphore, #tpu.memory_space<semaphore_mem>>
        %dma_start3A_203 = tpu.memref_squeeze %dma_start3A_202 : memref<1x!tpu.dma_semaphore, #tpu.memory_space<semaphore_mem>> -> memref<!tpu.dma_semaphore, #tpu.memory_space<semaphore_mem>>
        %dma_start3A_204 = arith.constant 0 : i32
        %dma_start3A_205 = tpu.memref_slice %arg4[%rem3A_0, %scan3A_196, %dma_start3A_204] : memref<2x256x64xf32, #tpu.memory_space<vmem>> -> memref<1x1x64xf32, #tpu.memory_space<vmem>>
        %dma_start3A_206 = tpu.memref_squeeze %dma_start3A_205 : memref<1x1x64xf32, #tpu.memory_space<vmem>> -> memref<1x64xf32, #tpu.memory_space<vmem>>
        %dma_start3A_207 = arith.constant 0 : i32
        %dma_start3A_208 = tpu.memref_slice %arg2[%get3A_201, %dma_start3A_207] : memref<1000000x64xf32, #tpu.memory_space<hbm>> -> memref<1x64xf32, #tpu.memory_space<hbm>>
        tpu.enqueue_dma source(%dma_start3A_208 : memref<1x64xf32, #tpu.memory_space<hbm>>) target(%dma_start3A_206 : memref<1x64xf32, #tpu.memory_space<vmem>>) target_semaphore(%dma_start3A_203 : memref<!tpu.dma_semaphore, #tpu.memory_space<semaphore_mem>>)
        %scan3A_209 = arith.constant 13 : i32
        %scan3A_210 = arith.addi %scan3A_30, %scan3A_209 : i32
        %mul3A_211 = arith.constant 256 : i32
        %mul3A_212 = arith.muli %arg0, %mul3A_211 : i32
        %add3A_213 = arith.addi %mul3A_212, %scan3A_210 : i32
        %get3A_214 = arith.index_cast %add3A_213 : i32 to index
        %get3A_215 = memref.load %arg1[%get3A_214] : memref<16384xi32, #tpu.memory_space<smem>>
        %dma_start3A_216 = tpu.memref_slice %arg5[%rem3A_0] : memref<2x!tpu.dma_semaphore, #tpu.memory_space<semaphore_mem>> -> memref<1x!tpu.dma_semaphore, #tpu.memory_space<semaphore_mem>>
        %dma_start3A_217 = tpu.memref_squeeze %dma_start3A_216 : memref<1x!tpu.dma_semaphore, #tpu.memory_space<semaphore_mem>> -> memref<!tpu.dma_semaphore, #tpu.memory_space<semaphore_mem>>
        %dma_start3A_218 = arith.constant 0 : i32
        %dma_start3A_219 = tpu.memref_slice %arg4[%rem3A_0, %scan3A_210, %dma_start3A_218] : memref<2x256x64xf32, #tpu.memory_space<vmem>> -> memref<1x1x64xf32, #tpu.memory_space<vmem>>
        %dma_start3A_220 = tpu.memref_squeeze %dma_start3A_219 : memref<1x1x64xf32, #tpu.memory_space<vmem>> -> memref<1x64xf32, #tpu.memory_space<vmem>>
        %dma_start3A_221 = arith.constant 0 : i32
        %dma_start3A_222 = tpu.memref_slice %arg2[%get3A_215, %dma_start3A_221] : memref<1000000x64xf32, #tpu.memory_space<hbm>> -> memref<1x64xf32, #tpu.memory_space<hbm>>
        tpu.enqueue_dma source(%dma_start3A_222 : memref<1x64xf32, #tpu.memory_space<hbm>>) target(%dma_start3A_220 : memref<1x64xf32, #tpu.memory_space<vmem>>) target_semaphore(%dma_start3A_217 : memref<!tpu.dma_semaphore, #tpu.memory_space<semaphore_mem>>)
        %scan3A_223 = arith.constant 14 : i32
        %scan3A_224 = arith.addi %scan3A_30, %scan3A_223 : i32
        %mul3A_225 = arith.constant 256 : i32
        %mul3A_226 = arith.muli %arg0, %mul3A_225 : i32
        %add3A_227 = arith.addi %mul3A_226, %scan3A_224 : i32
        %get3A_228 = arith.index_cast %add3A_227 : i32 to index
        %get3A_229 = memref.load %arg1[%get3A_228] : memref<16384xi32, #tpu.memory_space<smem>>
        %dma_start3A_230 = tpu.memref_slice %arg5[%rem3A_0] : memref<2x!tpu.dma_semaphore, #tpu.memory_space<semaphore_mem>> -> memref<1x!tpu.dma_semaphore, #tpu.memory_space<semaphore_mem>>
        %dma_start3A_231 = tpu.memref_squeeze %dma_start3A_230 : memref<1x!tpu.dma_semaphore, #tpu.memory_space<semaphore_mem>> -> memref<!tpu.dma_semaphore, #tpu.memory_space<semaphore_mem>>
        %dma_start3A_232 = arith.constant 0 : i32
        %dma_start3A_233 = tpu.memref_slice %arg4[%rem3A_0, %scan3A_224, %dma_start3A_232] : memref<2x256x64xf32, #tpu.memory_space<vmem>> -> memref<1x1x64xf32, #tpu.memory_space<vmem>>
        %dma_start3A_234 = tpu.memref_squeeze %dma_start3A_233 : memref<1x1x64xf32, #tpu.memory_space<vmem>> -> memref<1x64xf32, #tpu.memory_space<vmem>>
        %dma_start3A_235 = arith.constant 0 : i32
        %dma_start3A_236 = tpu.memref_slice %arg2[%get3A_229, %dma_start3A_235] : memref<1000000x64xf32, #tpu.memory_space<hbm>> -> memref<1x64xf32, #tpu.memory_space<hbm>>
        tpu.enqueue_dma source(%dma_start3A_236 : memref<1x64xf32, #tpu.memory_space<hbm>>) target(%dma_start3A_234 : memref<1x64xf32, #tpu.memory_space<vmem>>) target_semaphore(%dma_start3A_231 : memref<!tpu.dma_semaphore, #tpu.memory_space<semaphore_mem>>)
        %scan3A_237 = arith.constant 15 : i32
        %scan3A_238 = arith.addi %scan3A_30, %scan3A_237 : i32
        %mul3A_239 = arith.constant 256 : i32
        %mul3A_240 = arith.muli %arg0, %mul3A_239 : i32
        %add3A_241 = arith.addi %mul3A_240, %scan3A_238 : i32
        %get3A_242 = arith.index_cast %add3A_241 : i32 to index
        %get3A_243 = memref.load %arg1[%get3A_242] : memref<16384xi32, #tpu.memory_space<smem>>
        %dma_start3A_244 = tpu.memref_slice %arg5[%rem3A_0] : memref<2x!tpu.dma_semaphore, #tpu.memory_space<semaphore_mem>> -> memref<1x!tpu.dma_semaphore, #tpu.memory_space<semaphore_mem>>
        %dma_start3A_245 = tpu.memref_squeeze %dma_start3A_244 : memref<1x!tpu.dma_semaphore, #tpu.memory_space<semaphore_mem>> -> memref<!tpu.dma_semaphore, #tpu.memory_space<semaphore_mem>>
        %dma_start3A_246 = arith.constant 0 : i32
        %dma_start3A_247 = tpu.memref_slice %arg4[%rem3A_0, %scan3A_238, %dma_start3A_246] : memref<2x256x64xf32, #tpu.memory_space<vmem>> -> memref<1x1x64xf32, #tpu.memory_space<vmem>>
        %dma_start3A_248 = tpu.memref_squeeze %dma_start3A_247 : memref<1x1x64xf32, #tpu.memory_space<vmem>> -> memref<1x64xf32, #tpu.memory_space<vmem>>
        %dma_start3A_249 = arith.constant 0 : i32
        %dma_start3A_250 = tpu.memref_slice %arg2[%get3A_243, %dma_start3A_249] : memref<1000000x64xf32, #tpu.memory_space<hbm>> -> memref<1x64xf32, #tpu.memory_space<hbm>>
        tpu.enqueue_dma source(%dma_start3A_250 : memref<1x64xf32, #tpu.memory_space<hbm>>) target(%dma_start3A_248 : memref<1x64xf32, #tpu.memory_space<vmem>>) target_semaphore(%dma_start3A_245 : memref<!tpu.dma_semaphore, #tpu.memory_space<semaphore_mem>>)
        %scan3A_251 = arith.constant 16 : i32
        %scan3A_252 = arith.addi %scan3A_30, %scan3A_251 : i32
        %mul3A_253 = arith.constant 256 : i32
        %mul3A_254 = arith.muli %arg0, %mul3A_253 : i32
        %add3A_255 = arith.addi %mul3A_254, %scan3A_252 : i32
        %get3A_256 = arith.index_cast %add3A_255 : i32 to index
        %get3A_257 = memref.load %arg1[%get3A_256] : memref<16384xi32, #tpu.memory_space<smem>>
        %dma_start3A_258 = tpu.memref_slice %arg5[%rem3A_0] : memref<2x!tpu.dma_semaphore, #tpu.memory_space<semaphore_mem>> -> memref<1x!tpu.dma_semaphore, #tpu.memory_space<semaphore_mem>>
        %dma_start3A_259 = tpu.memref_squeeze %dma_start3A_258 : memref<1x!tpu.dma_semaphore, #tpu.memory_space<semaphore_mem>> -> memref<!tpu.dma_semaphore, #tpu.memory_space<semaphore_mem>>
        %dma_start3A_260 = arith.constant 0 : i32
        %dma_start3A_261 = tpu.memref_slice %arg4[%rem3A_0, %scan3A_252, %dma_start3A_260] : memref<2x256x64xf32, #tpu.memory_space<vmem>> -> memref<1x1x64xf32, #tpu.memory_space<vmem>>
        %dma_start3A_262 = tpu.memref_squeeze %dma_start3A_261 : memref<1x1x64xf32, #tpu.memory_space<vmem>> -> memref<1x64xf32, #tpu.memory_space<vmem>>
        %dma_start3A_263 = arith.constant 0 : i32
        %dma_start3A_264 = tpu.memref_slice %arg2[%get3A_257, %dma_start3A_263] : memref<1000000x64xf32, #tpu.memory_space<hbm>> -> memref<1x64xf32, #tpu.memory_space<hbm>>
        tpu.enqueue_dma source(%dma_start3A_264 : memref<1x64xf32, #tpu.memory_space<hbm>>) target(%dma_start3A_262 : memref<1x64xf32, #tpu.memory_space<vmem>>) target_semaphore(%dma_start3A_259 : memref<!tpu.dma_semaphore, #tpu.memory_space<semaphore_mem>>)
        %scan3A_265 = arith.constant 17 : i32
        %scan3A_266 = arith.addi %scan3A_30, %scan3A_265 : i32
        %mul3A_267 = arith.constant 256 : i32
        %mul3A_268 = arith.muli %arg0, %mul3A_267 : i32
        %add3A_269 = arith.addi %mul3A_268, %scan3A_266 : i32
        %get3A_270 = arith.index_cast %add3A_269 : i32 to index
        %get3A_271 = memref.load %arg1[%get3A_270] : memref<16384xi32, #tpu.memory_space<smem>>
        %dma_start3A_272 = tpu.memref_slice %arg5[%rem3A_0] : memref<2x!tpu.dma_semaphore, #tpu.memory_space<semaphore_mem>> -> memref<1x!tpu.dma_semaphore, #tpu.memory_space<semaphore_mem>>
        %dma_start3A_273 = tpu.memref_squeeze %dma_start3A_272 : memref<1x!tpu.dma_semaphore, #tpu.memory_space<semaphore_mem>> -> memref<!tpu.dma_semaphore, #tpu.memory_space<semaphore_mem>>
        %dma_start3A_274 = arith.constant 0 : i32
        %dma_start3A_275 = tpu.memref_slice %arg4[%rem3A_0, %scan3A_266, %dma_start3A_274] : memref<2x256x64xf32, #tpu.memory_space<vmem>> -> memref<1x1x64xf32, #tpu.memory_space<vmem>>
        %dma_start3A_276 = tpu.memref_squeeze %dma_start3A_275 : memref<1x1x64xf32, #tpu.memory_space<vmem>> -> memref<1x64xf32, #tpu.memory_space<vmem>>
        %dma_start3A_277 = arith.constant 0 : i32
        %dma_start3A_278 = tpu.memref_slice %arg2[%get3A_271, %dma_start3A_277] : memref<1000000x64xf32, #tpu.memory_space<hbm>> -> memref<1x64xf32, #tpu.memory_space<hbm>>
        tpu.enqueue_dma source(%dma_start3A_278 : memref<1x64xf32, #tpu.memory_space<hbm>>) target(%dma_start3A_276 : memref<1x64xf32, #tpu.memory_space<vmem>>) target_semaphore(%dma_start3A_273 : memref<!tpu.dma_semaphore, #tpu.memory_space<semaphore_mem>>)
        %scan3A_279 = arith.constant 18 : i32
        %scan3A_280 = arith.addi %scan3A_30, %scan3A_279 : i32
        %mul3A_281 = arith.constant 256 : i32
        %mul3A_282 = arith.muli %arg0, %mul3A_281 : i32
        %add3A_283 = arith.addi %mul3A_282, %scan3A_280 : i32
        %get3A_284 = arith.index_cast %add3A_283 : i32 to index
        %get3A_285 = memref.load %arg1[%get3A_284] : memref<16384xi32, #tpu.memory_space<smem>>
        %dma_start3A_286 = tpu.memref_slice %arg5[%rem3A_0] : memref<2x!tpu.dma_semaphore, #tpu.memory_space<semaphore_mem>> -> memref<1x!tpu.dma_semaphore, #tpu.memory_space<semaphore_mem>>
        %dma_start3A_287 = tpu.memref_squeeze %dma_start3A_286 : memref<1x!tpu.dma_semaphore, #tpu.memory_space<semaphore_mem>> -> memref<!tpu.dma_semaphore, #tpu.memory_space<semaphore_mem>>
        %dma_start3A_288 = arith.constant 0 : i32
        %dma_start3A_289 = tpu.memref_slice %arg4[%rem3A_0, %scan3A_280, %dma_start3A_288] : memref<2x256x64xf32, #tpu.memory_space<vmem>> -> memref<1x1x64xf32, #tpu.memory_space<vmem>>
        %dma_start3A_290 = tpu.memref_squeeze %dma_start3A_289 : memref<1x1x64xf32, #tpu.memory_space<vmem>> -> memref<1x64xf32, #tpu.memory_space<vmem>>
        %dma_start3A_291 = arith.constant 0 : i32
        %dma_start3A_292 = tpu.memref_slice %arg2[%get3A_285, %dma_start3A_291] : memref<1000000x64xf32, #tpu.memory_space<hbm>> -> memref<1x64xf32, #tpu.memory_space<hbm>>
        tpu.enqueue_dma source(%dma_start3A_292 : memref<1x64xf32, #tpu.memory_space<hbm>>) target(%dma_start3A_290 : memref<1x64xf32, #tpu.memory_space<vmem>>) target_semaphore(%dma_start3A_287 : memref<!tpu.dma_semaphore, #tpu.memory_space<semaphore_mem>>)
        %scan3A_293 = arith.constant 19 : i32
        %scan3A_294 = arith.addi %scan3A_30, %scan3A_293 : i32
        %mul3A_295 = arith.constant 256 : i32
        %mul3A_296 = arith.muli %arg0, %mul3A_295 : i32
        %add3A_297 = arith.addi %mul3A_296, %scan3A_294 : i32
        %get3A_298 = arith.index_cast %add3A_297 : i32 to index
        %get3A_299 = memref.load %arg1[%get3A_298] : memref<16384xi32, #tpu.memory_space<smem>>
        %dma_start3A_300 = tpu.memref_slice %arg5[%rem3A_0] : memref<2x!tpu.dma_semaphore, #tpu.memory_space<semaphore_mem>> -> memref<1x!tpu.dma_semaphore, #tpu.memory_space<semaphore_mem>>
        %dma_start3A_301 = tpu.memref_squeeze %dma_start3A_300 : memref<1x!tpu.dma_semaphore, #tpu.memory_space<semaphore_mem>> -> memref<!tpu.dma_semaphore, #tpu.memory_space<semaphore_mem>>
        %dma_start3A_302 = arith.constant 0 : i32
        %dma_start3A_303 = tpu.memref_slice %arg4[%rem3A_0, %scan3A_294, %dma_start3A_302] : memref<2x256x64xf32, #tpu.memory_space<vmem>> -> memref<1x1x64xf32, #tpu.memory_space<vmem>>
        %dma_start3A_304 = tpu.memref_squeeze %dma_start3A_303 : memref<1x1x64xf32, #tpu.memory_space<vmem>> -> memref<1x64xf32, #tpu.memory_space<vmem>>
        %dma_start3A_305 = arith.constant 0 : i32
        %dma_start3A_306 = tpu.memref_slice %arg2[%get3A_299, %dma_start3A_305] : memref<1000000x64xf32, #tpu.memory_space<hbm>> -> memref<1x64xf32, #tpu.memory_space<hbm>>
        tpu.enqueue_dma source(%dma_start3A_306 : memref<1x64xf32, #tpu.memory_space<hbm>>) target(%dma_start3A_304 : memref<1x64xf32, #tpu.memory_space<vmem>>) target_semaphore(%dma_start3A_301 : memref<!tpu.dma_semaphore, #tpu.memory_space<semaphore_mem>>)
        %scan3A_307 = arith.constant 20 : i32
        %scan3A_308 = arith.addi %scan3A_30, %scan3A_307 : i32
        %mul3A_309 = arith.constant 256 : i32
        %mul3A_310 = arith.muli %arg0, %mul3A_309 : i32
        %add3A_311 = arith.addi %mul3A_310, %scan3A_308 : i32
        %get3A_312 = arith.index_cast %add3A_311 : i32 to index
        %get3A_313 = memref.load %arg1[%get3A_312] : memref<16384xi32, #tpu.memory_space<smem>>
        %dma_start3A_314 = tpu.memref_slice %arg5[%rem3A_0] : memref<2x!tpu.dma_semaphore, #tpu.memory_space<semaphore_mem>> -> memref<1x!tpu.dma_semaphore, #tpu.memory_space<semaphore_mem>>
        %dma_start3A_315 = tpu.memref_squeeze %dma_start3A_314 : memref<1x!tpu.dma_semaphore, #tpu.memory_space<semaphore_mem>> -> memref<!tpu.dma_semaphore, #tpu.memory_space<semaphore_mem>>
        %dma_start3A_316 = arith.constant 0 : i32
        %dma_start3A_317 = tpu.memref_slice %arg4[%rem3A_0, %scan3A_308, %dma_start3A_316] : memref<2x256x64xf32, #tpu.memory_space<vmem>> -> memref<1x1x64xf32, #tpu.memory_space<vmem>>
        %dma_start3A_318 = tpu.memref_squeeze %dma_start3A_317 : memref<1x1x64xf32, #tpu.memory_space<vmem>> -> memref<1x64xf32, #tpu.memory_space<vmem>>
        %dma_start3A_319 = arith.constant 0 : i32
        %dma_start3A_320 = tpu.memref_slice %arg2[%get3A_313, %dma_start3A_319] : memref<1000000x64xf32, #tpu.memory_space<hbm>> -> memref<1x64xf32, #tpu.memory_space<hbm>>
        tpu.enqueue_dma source(%dma_start3A_320 : memref<1x64xf32, #tpu.memory_space<hbm>>) target(%dma_start3A_318 : memref<1x64xf32, #tpu.memory_space<vmem>>) target_semaphore(%dma_start3A_315 : memref<!tpu.dma_semaphore, #tpu.memory_space<semaphore_mem>>)
        %scan3A_321 = arith.constant 21 : i32
        %scan3A_322 = arith.addi %scan3A_30, %scan3A_321 : i32
        %mul3A_323 = arith.constant 256 : i32
        %mul3A_324 = arith.muli %arg0, %mul3A_323 : i32
        %add3A_325 = arith.addi %mul3A_324, %scan3A_322 : i32
        %get3A_326 = arith.index_cast %add3A_325 : i32 to index
        %get3A_327 = memref.load %arg1[%get3A_326] : memref<16384xi32, #tpu.memory_space<smem>>
        %dma_start3A_328 = tpu.memref_slice %arg5[%rem3A_0] : memref<2x!tpu.dma_semaphore, #tpu.memory_space<semaphore_mem>> -> memref<1x!tpu.dma_semaphore, #tpu.memory_space<semaphore_mem>>
        %dma_start3A_329 = tpu.memref_squeeze %dma_start3A_328 : memref<1x!tpu.dma_semaphore, #tpu.memory_space<semaphore_mem>> -> memref<!tpu.dma_semaphore, #tpu.memory_space<semaphore_mem>>
        %dma_start3A_330 = arith.constant 0 : i32
        %dma_start3A_331 = tpu.memref_slice %arg4[%rem3A_0, %scan3A_322, %dma_start3A_330] : memref<2x256x64xf32, #tpu.memory_space<vmem>> -> memref<1x1x64xf32, #tpu.memory_space<vmem>>
        %dma_start3A_332 = tpu.memref_squeeze %dma_start3A_331 : memref<1x1x64xf32, #tpu.memory_space<vmem>> -> memref<1x64xf32, #tpu.memory_space<vmem>>
        %dma_start3A_333 = arith.constant 0 : i32
        %dma_start3A_334 = tpu.memref_slice %arg2[%get3A_327, %dma_start3A_333] : memref<1000000x64xf32, #tpu.memory_space<hbm>> -> memref<1x64xf32, #tpu.memory_space<hbm>>
        tpu.enqueue_dma source(%dma_start3A_334 : memref<1x64xf32, #tpu.memory_space<hbm>>) target(%dma_start3A_332 : memref<1x64xf32, #tpu.memory_space<vmem>>) target_semaphore(%dma_start3A_329 : memref<!tpu.dma_semaphore, #tpu.memory_space<semaphore_mem>>)
        %scan3A_335 = arith.constant 22 : i32
        %scan3A_336 = arith.addi %scan3A_30, %scan3A_335 : i32
        %mul3A_337 = arith.constant 256 : i32
        %mul3A_338 = arith.muli %arg0, %mul3A_337 : i32
        %add3A_339 = arith.addi %mul3A_338, %scan3A_336 : i32
        %get3A_340 = arith.index_cast %add3A_339 : i32 to index
        %get3A_341 = memref.load %arg1[%get3A_340] : memref<16384xi32, #tpu.memory_space<smem>>
        %dma_start3A_342 = tpu.memref_slice %arg5[%rem3A_0] : memref<2x!tpu.dma_semaphore, #tpu.memory_space<semaphore_mem>> -> memref<1x!tpu.dma_semaphore, #tpu.memory_space<semaphore_mem>>
        %dma_start3A_343 = tpu.memref_squeeze %dma_start3A_342 : memref<1x!tpu.dma_semaphore, #tpu.memory_space<semaphore_mem>> -> memref<!tpu.dma_semaphore, #tpu.memory_space<semaphore_mem>>
        %dma_start3A_344 = arith.constant 0 : i32
        %dma_start3A_345 = tpu.memref_slice %arg4[%rem3A_0, %scan3A_336, %dma_start3A_344] : memref<2x256x64xf32, #tpu.memory_space<vmem>> -> memref<1x1x64xf32, #tpu.memory_space<vmem>>
        %dma_start3A_346 = tpu.memref_squeeze %dma_start3A_345 : memref<1x1x64xf32, #tpu.memory_space<vmem>> -> memref<1x64xf32, #tpu.memory_space<vmem>>
        %dma_start3A_347 = arith.constant 0 : i32
        %dma_start3A_348 = tpu.memref_slice %arg2[%get3A_341, %dma_start3A_347] : memref<1000000x64xf32, #tpu.memory_space<hbm>> -> memref<1x64xf32, #tpu.memory_space<hbm>>
        tpu.enqueue_dma source(%dma_start3A_348 : memref<1x64xf32, #tpu.memory_space<hbm>>) target(%dma_start3A_346 : memref<1x64xf32, #tpu.memory_space<vmem>>) target_semaphore(%dma_start3A_343 : memref<!tpu.dma_semaphore, #tpu.memory_space<semaphore_mem>>)
        %scan3A_349 = arith.constant 23 : i32
        %scan3A_350 = arith.addi %scan3A_30, %scan3A_349 : i32
        %mul3A_351 = arith.constant 256 : i32
        %mul3A_352 = arith.muli %arg0, %mul3A_351 : i32
        %add3A_353 = arith.addi %mul3A_352, %scan3A_350 : i32
        %get3A_354 = arith.index_cast %add3A_353 : i32 to index
        %get3A_355 = memref.load %arg1[%get3A_354] : memref<16384xi32, #tpu.memory_space<smem>>
        %dma_start3A_356 = tpu.memref_slice %arg5[%rem3A_0] : memref<2x!tpu.dma_semaphore, #tpu.memory_space<semaphore_mem>> -> memref<1x!tpu.dma_semaphore, #tpu.memory_space<semaphore_mem>>
        %dma_start3A_357 = tpu.memref_squeeze %dma_start3A_356 : memref<1x!tpu.dma_semaphore, #tpu.memory_space<semaphore_mem>> -> memref<!tpu.dma_semaphore, #tpu.memory_space<semaphore_mem>>
        %dma_start3A_358 = arith.constant 0 : i32
        %dma_start3A_359 = tpu.memref_slice %arg4[%rem3A_0, %scan3A_350, %dma_start3A_358] : memref<2x256x64xf32, #tpu.memory_space<vmem>> -> memref<1x1x64xf32, #tpu.memory_space<vmem>>
        %dma_start3A_360 = tpu.memref_squeeze %dma_start3A_359 : memref<1x1x64xf32, #tpu.memory_space<vmem>> -> memref<1x64xf32, #tpu.memory_space<vmem>>
        %dma_start3A_361 = arith.constant 0 : i32
        %dma_start3A_362 = tpu.memref_slice %arg2[%get3A_355, %dma_start3A_361] : memref<1000000x64xf32, #tpu.memory_space<hbm>> -> memref<1x64xf32, #tpu.memory_space<hbm>>
        tpu.enqueue_dma source(%dma_start3A_362 : memref<1x64xf32, #tpu.memory_space<hbm>>) target(%dma_start3A_360 : memref<1x64xf32, #tpu.memory_space<vmem>>) target_semaphore(%dma_start3A_357 : memref<!tpu.dma_semaphore, #tpu.memory_space<semaphore_mem>>)
        %scan3A_363 = arith.constant 24 : i32
        %scan3A_364 = arith.addi %scan3A_30, %scan3A_363 : i32
        %mul3A_365 = arith.constant 256 : i32
        %mul3A_366 = arith.muli %arg0, %mul3A_365 : i32
        %add3A_367 = arith.addi %mul3A_366, %scan3A_364 : i32
        %get3A_368 = arith.index_cast %add3A_367 : i32 to index
        %get3A_369 = memref.load %arg1[%get3A_368] : memref<16384xi32, #tpu.memory_space<smem>>
        %dma_start3A_370 = tpu.memref_slice %arg5[%rem3A_0] : memref<2x!tpu.dma_semaphore, #tpu.memory_space<semaphore_mem>> -> memref<1x!tpu.dma_semaphore, #tpu.memory_space<semaphore_mem>>
        %dma_start3A_371 = tpu.memref_squeeze %dma_start3A_370 : memref<1x!tpu.dma_semaphore, #tpu.memory_space<semaphore_mem>> -> memref<!tpu.dma_semaphore, #tpu.memory_space<semaphore_mem>>
        %dma_start3A_372 = arith.constant 0 : i32
        %dma_start3A_373 = tpu.memref_slice %arg4[%rem3A_0, %scan3A_364, %dma_start3A_372] : memref<2x256x64xf32, #tpu.memory_space<vmem>> -> memref<1x1x64xf32, #tpu.memory_space<vmem>>
        %dma_start3A_374 = tpu.memref_squeeze %dma_start3A_373 : memref<1x1x64xf32, #tpu.memory_space<vmem>> -> memref<1x64xf32, #tpu.memory_space<vmem>>
        %dma_start3A_375 = arith.constant 0 : i32
        %dma_start3A_376 = tpu.memref_slice %arg2[%get3A_369, %dma_start3A_375] : memref<1000000x64xf32, #tpu.memory_space<hbm>> -> memref<1x64xf32, #tpu.memory_space<hbm>>
        tpu.enqueue_dma source(%dma_start3A_376 : memref<1x64xf32, #tpu.memory_space<hbm>>) target(%dma_start3A_374 : memref<1x64xf32, #tpu.memory_space<vmem>>) target_semaphore(%dma_start3A_371 : memref<!tpu.dma_semaphore, #tpu.memory_space<semaphore_mem>>)
        %scan3A_377 = arith.constant 25 : i32
        %scan3A_378 = arith.addi %scan3A_30, %scan3A_377 : i32
        %mul3A_379 = arith.constant 256 : i32
        %mul3A_380 = arith.muli %arg0, %mul3A_379 : i32
        %add3A_381 = arith.addi %mul3A_380, %scan3A_378 : i32
        %get3A_382 = arith.index_cast %add3A_381 : i32 to index
        %get3A_383 = memref.load %arg1[%get3A_382] : memref<16384xi32, #tpu.memory_space<smem>>
        %dma_start3A_384 = tpu.memref_slice %arg5[%rem3A_0] : memref<2x!tpu.dma_semaphore, #tpu.memory_space<semaphore_mem>> -> memref<1x!tpu.dma_semaphore, #tpu.memory_space<semaphore_mem>>
        %dma_start3A_385 = tpu.memref_squeeze %dma_start3A_384 : memref<1x!tpu.dma_semaphore, #tpu.memory_space<semaphore_mem>> -> memref<!tpu.dma_semaphore, #tpu.memory_space<semaphore_mem>>
        %dma_start3A_386 = arith.constant 0 : i32
        %dma_start3A_387 = tpu.memref_slice %arg4[%rem3A_0, %scan3A_378, %dma_start3A_386] : memref<2x256x64xf32, #tpu.memory_space<vmem>> -> memref<1x1x64xf32, #tpu.memory_space<vmem>>
        %dma_start3A_388 = tpu.memref_squeeze %dma_start3A_387 : memref<1x1x64xf32, #tpu.memory_space<vmem>> -> memref<1x64xf32, #tpu.memory_space<vmem>>
        %dma_start3A_389 = arith.constant 0 : i32
        %dma_start3A_390 = tpu.memref_slice %arg2[%get3A_383, %dma_start3A_389] : memref<1000000x64xf32, #tpu.memory_space<hbm>> -> memref<1x64xf32, #tpu.memory_space<hbm>>
        tpu.enqueue_dma source(%dma_start3A_390 : memref<1x64xf32, #tpu.memory_space<hbm>>) target(%dma_start3A_388 : memref<1x64xf32, #tpu.memory_space<vmem>>) target_semaphore(%dma_start3A_385 : memref<!tpu.dma_semaphore, #tpu.memory_space<semaphore_mem>>)
        %scan3A_391 = arith.constant 26 : i32
        %scan3A_392 = arith.addi %scan3A_30, %scan3A_391 : i32
        %mul3A_393 = arith.constant 256 : i32
        %mul3A_394 = arith.muli %arg0, %mul3A_393 : i32
        %add3A_395 = arith.addi %mul3A_394, %scan3A_392 : i32
        %get3A_396 = arith.index_cast %add3A_395 : i32 to index
        %get3A_397 = memref.load %arg1[%get3A_396] : memref<16384xi32, #tpu.memory_space<smem>>
        %dma_start3A_398 = tpu.memref_slice %arg5[%rem3A_0] : memref<2x!tpu.dma_semaphore, #tpu.memory_space<semaphore_mem>> -> memref<1x!tpu.dma_semaphore, #tpu.memory_space<semaphore_mem>>
        %dma_start3A_399 = tpu.memref_squeeze %dma_start3A_398 : memref<1x!tpu.dma_semaphore, #tpu.memory_space<semaphore_mem>> -> memref<!tpu.dma_semaphore, #tpu.memory_space<semaphore_mem>>
        %dma_start3A_400 = arith.constant 0 : i32
        %dma_start3A_401 = tpu.memref_slice %arg4[%rem3A_0, %scan3A_392, %dma_start3A_400] : memref<2x256x64xf32, #tpu.memory_space<vmem>> -> memref<1x1x64xf32, #tpu.memory_space<vmem>>
        %dma_start3A_402 = tpu.memref_squeeze %dma_start3A_401 : memref<1x1x64xf32, #tpu.memory_space<vmem>> -> memref<1x64xf32, #tpu.memory_space<vmem>>
        %dma_start3A_403 = arith.constant 0 : i32
        %dma_start3A_404 = tpu.memref_slice %arg2[%get3A_397, %dma_start3A_403] : memref<1000000x64xf32, #tpu.memory_space<hbm>> -> memref<1x64xf32, #tpu.memory_space<hbm>>
        tpu.enqueue_dma source(%dma_start3A_404 : memref<1x64xf32, #tpu.memory_space<hbm>>) target(%dma_start3A_402 : memref<1x64xf32, #tpu.memory_space<vmem>>) target_semaphore(%dma_start3A_399 : memref<!tpu.dma_semaphore, #tpu.memory_space<semaphore_mem>>)
        %scan3A_405 = arith.constant 27 : i32
        %scan3A_406 = arith.addi %scan3A_30, %scan3A_405 : i32
        %mul3A_407 = arith.constant 256 : i32
        %mul3A_408 = arith.muli %arg0, %mul3A_407 : i32
        %add3A_409 = arith.addi %mul3A_408, %scan3A_406 : i32
        %get3A_410 = arith.index_cast %add3A_409 : i32 to index
        %get3A_411 = memref.load %arg1[%get3A_410] : memref<16384xi32, #tpu.memory_space<smem>>
        %dma_start3A_412 = tpu.memref_slice %arg5[%rem3A_0] : memref<2x!tpu.dma_semaphore, #tpu.memory_space<semaphore_mem>> -> memref<1x!tpu.dma_semaphore, #tpu.memory_space<semaphore_mem>>
        %dma_start3A_413 = tpu.memref_squeeze %dma_start3A_412 : memref<1x!tpu.dma_semaphore, #tpu.memory_space<semaphore_mem>> -> memref<!tpu.dma_semaphore, #tpu.memory_space<semaphore_mem>>
        %dma_start3A_414 = arith.constant 0 : i32
        %dma_start3A_415 = tpu.memref_slice %arg4[%rem3A_0, %scan3A_406, %dma_start3A_414] : memref<2x256x64xf32, #tpu.memory_space<vmem>> -> memref<1x1x64xf32, #tpu.memory_space<vmem>>
        %dma_start3A_416 = tpu.memref_squeeze %dma_start3A_415 : memref<1x1x64xf32, #tpu.memory_space<vmem>> -> memref<1x64xf32, #tpu.memory_space<vmem>>
        %dma_start3A_417 = arith.constant 0 : i32
        %dma_start3A_418 = tpu.memref_slice %arg2[%get3A_411, %dma_start3A_417] : memref<1000000x64xf32, #tpu.memory_space<hbm>> -> memref<1x64xf32, #tpu.memory_space<hbm>>
        tpu.enqueue_dma source(%dma_start3A_418 : memref<1x64xf32, #tpu.memory_space<hbm>>) target(%dma_start3A_416 : memref<1x64xf32, #tpu.memory_space<vmem>>) target_semaphore(%dma_start3A_413 : memref<!tpu.dma_semaphore, #tpu.memory_space<semaphore_mem>>)
        %scan3A_419 = arith.constant 28 : i32
        %scan3A_420 = arith.addi %scan3A_30, %scan3A_419 : i32
        %mul3A_421 = arith.constant 256 : i32
        %mul3A_422 = arith.muli %arg0, %mul3A_421 : i32
        %add3A_423 = arith.addi %mul3A_422, %scan3A_420 : i32
        %get3A_424 = arith.index_cast %add3A_423 : i32 to index
        %get3A_425 = memref.load %arg1[%get3A_424] : memref<16384xi32, #tpu.memory_space<smem>>
        %dma_start3A_426 = tpu.memref_slice %arg5[%rem3A_0] : memref<2x!tpu.dma_semaphore, #tpu.memory_space<semaphore_mem>> -> memref<1x!tpu.dma_semaphore, #tpu.memory_space<semaphore_mem>>
        %dma_start3A_427 = tpu.memref_squeeze %dma_start3A_426 : memref<1x!tpu.dma_semaphore, #tpu.memory_space<semaphore_mem>> -> memref<!tpu.dma_semaphore, #tpu.memory_space<semaphore_mem>>
        %dma_start3A_428 = arith.constant 0 : i32
        %dma_start3A_429 = tpu.memref_slice %arg4[%rem3A_0, %scan3A_420, %dma_start3A_428] : memref<2x256x64xf32, #tpu.memory_space<vmem>> -> memref<1x1x64xf32, #tpu.memory_space<vmem>>
        %dma_start3A_430 = tpu.memref_squeeze %dma_start3A_429 : memref<1x1x64xf32, #tpu.memory_space<vmem>> -> memref<1x64xf32, #tpu.memory_space<vmem>>
        %dma_start3A_431 = arith.constant 0 : i32
        %dma_start3A_432 = tpu.memref_slice %arg2[%get3A_425, %dma_start3A_431] : memref<1000000x64xf32, #tpu.memory_space<hbm>> -> memref<1x64xf32, #tpu.memory_space<hbm>>
        tpu.enqueue_dma source(%dma_start3A_432 : memref<1x64xf32, #tpu.memory_space<hbm>>) target(%dma_start3A_430 : memref<1x64xf32, #tpu.memory_space<vmem>>) target_semaphore(%dma_start3A_427 : memref<!tpu.dma_semaphore, #tpu.memory_space<semaphore_mem>>)
        %scan3A_433 = arith.constant 29 : i32
        %scan3A_434 = arith.addi %scan3A_30, %scan3A_433 : i32
        %mul3A_435 = arith.constant 256 : i32
        %mul3A_436 = arith.muli %arg0, %mul3A_435 : i32
        %add3A_437 = arith.addi %mul3A_436, %scan3A_434 : i32
        %get3A_438 = arith.index_cast %add3A_437 : i32 to index
        %get3A_439 = memref.load %arg1[%get3A_438] : memref<16384xi32, #tpu.memory_space<smem>>
        %dma_start3A_440 = tpu.memref_slice %arg5[%rem3A_0] : memref<2x!tpu.dma_semaphore, #tpu.memory_space<semaphore_mem>> -> memref<1x!tpu.dma_semaphore, #tpu.memory_space<semaphore_mem>>
        %dma_start3A_441 = tpu.memref_squeeze %dma_start3A_440 : memref<1x!tpu.dma_semaphore, #tpu.memory_space<semaphore_mem>> -> memref<!tpu.dma_semaphore, #tpu.memory_space<semaphore_mem>>
        %dma_start3A_442 = arith.constant 0 : i32
        %dma_start3A_443 = tpu.memref_slice %arg4[%rem3A_0, %scan3A_434, %dma_start3A_442] : memref<2x256x64xf32, #tpu.memory_space<vmem>> -> memref<1x1x64xf32, #tpu.memory_space<vmem>>
        %dma_start3A_444 = tpu.memref_squeeze %dma_start3A_443 : memref<1x1x64xf32, #tpu.memory_space<vmem>> -> memref<1x64xf32, #tpu.memory_space<vmem>>
        %dma_start3A_445 = arith.constant 0 : i32
        %dma_start3A_446 = tpu.memref_slice %arg2[%get3A_439, %dma_start3A_445] : memref<1000000x64xf32, #tpu.memory_space<hbm>> -> memref<1x64xf32, #tpu.memory_space<hbm>>
        tpu.enqueue_dma source(%dma_start3A_446 : memref<1x64xf32, #tpu.memory_space<hbm>>) target(%dma_start3A_444 : memref<1x64xf32, #tpu.memory_space<vmem>>) target_semaphore(%dma_start3A_441 : memref<!tpu.dma_semaphore, #tpu.memory_space<semaphore_mem>>)
        %scan3A_447 = arith.constant 30 : i32
        %scan3A_448 = arith.addi %scan3A_30, %scan3A_447 : i32
        %mul3A_449 = arith.constant 256 : i32
        %mul3A_450 = arith.muli %arg0, %mul3A_449 : i32
        %add3A_451 = arith.addi %mul3A_450, %scan3A_448 : i32
        %get3A_452 = arith.index_cast %add3A_451 : i32 to index
        %get3A_453 = memref.load %arg1[%get3A_452] : memref<16384xi32, #tpu.memory_space<smem>>
        %dma_start3A_454 = tpu.memref_slice %arg5[%rem3A_0] : memref<2x!tpu.dma_semaphore, #tpu.memory_space<semaphore_mem>> -> memref<1x!tpu.dma_semaphore, #tpu.memory_space<semaphore_mem>>
        %dma_start3A_455 = tpu.memref_squeeze %dma_start3A_454 : memref<1x!tpu.dma_semaphore, #tpu.memory_space<semaphore_mem>> -> memref<!tpu.dma_semaphore, #tpu.memory_space<semaphore_mem>>
        %dma_start3A_456 = arith.constant 0 : i32
        %dma_start3A_457 = tpu.memref_slice %arg4[%rem3A_0, %scan3A_448, %dma_start3A_456] : memref<2x256x64xf32, #tpu.memory_space<vmem>> -> memref<1x1x64xf32, #tpu.memory_space<vmem>>
        %dma_start3A_458 = tpu.memref_squeeze %dma_start3A_457 : memref<1x1x64xf32, #tpu.memory_space<vmem>> -> memref<1x64xf32, #tpu.memory_space<vmem>>
        %dma_start3A_459 = arith.constant 0 : i32
        %dma_start3A_460 = tpu.memref_slice %arg2[%get3A_453, %dma_start3A_459] : memref<1000000x64xf32, #tpu.memory_space<hbm>> -> memref<1x64xf32, #tpu.memory_space<hbm>>
        tpu.enqueue_dma source(%dma_start3A_460 : memref<1x64xf32, #tpu.memory_space<hbm>>) target(%dma_start3A_458 : memref<1x64xf32, #tpu.memory_space<vmem>>) target_semaphore(%dma_start3A_455 : memref<!tpu.dma_semaphore, #tpu.memory_space<semaphore_mem>>)
        %scan3A_461 = arith.constant 31 : i32
        %scan3A_462 = arith.addi %scan3A_30, %scan3A_461 : i32
        %mul3A_463 = arith.constant 256 : i32
        %mul3A_464 = arith.muli %arg0, %mul3A_463 : i32
        %add3A_465 = arith.addi %mul3A_464, %scan3A_462 : i32
        %get3A_466 = arith.index_cast %add3A_465 : i32 to index
        %get3A_467 = memref.load %arg1[%get3A_466] : memref<16384xi32, #tpu.memory_space<smem>>
        %dma_start3A_468 = tpu.memref_slice %arg5[%rem3A_0] : memref<2x!tpu.dma_semaphore, #tpu.memory_space<semaphore_mem>> -> memref<1x!tpu.dma_semaphore, #tpu.memory_space<semaphore_mem>>
        %dma_start3A_469 = tpu.memref_squeeze %dma_start3A_468 : memref<1x!tpu.dma_semaphore, #tpu.memory_space<semaphore_mem>> -> memref<!tpu.dma_semaphore, #tpu.memory_space<semaphore_mem>>
        %dma_start3A_470 = arith.constant 0 : i32
        %dma_start3A_471 = tpu.memref_slice %arg4[%rem3A_0, %scan3A_462, %dma_start3A_470] : memref<2x256x64xf32, #tpu.memory_space<vmem>> -> memref<1x1x64xf32, #tpu.memory_space<vmem>>
        %dma_start3A_472 = tpu.memref_squeeze %dma_start3A_471 : memref<1x1x64xf32, #tpu.memory_space<vmem>> -> memref<1x64xf32, #tpu.memory_space<vmem>>
        %dma_start3A_473 = arith.constant 0 : i32
        %dma_start3A_474 = tpu.memref_slice %arg2[%get3A_467, %dma_start3A_473] : memref<1000000x64xf32, #tpu.memory_space<hbm>> -> memref<1x64xf32, #tpu.memory_space<hbm>>
        tpu.enqueue_dma source(%dma_start3A_474 : memref<1x64xf32, #tpu.memory_space<hbm>>) target(%dma_start3A_472 : memref<1x64xf32, #tpu.memory_space<vmem>>) target_semaphore(%dma_start3A_469 : memref<!tpu.dma_semaphore, #tpu.memory_space<semaphore_mem>>)
      }
      %scan3A_29 = arith.constant 256 : i32
    } else {
    }
    %add3A_6 = arith.constant 1 : i32
    %add3A_7 = arith.addi %arg0, %add3A_6 : i32
    %lt3A = arith.constant 64 : i32
    %lt3A_8 = arith.cmpi slt, %add3A_7, %lt3A : i32
    %convert_element_type3A_9 = arith.extui %lt3A_8 : i1 to i32
    %cond3A_10 = arith.constant 0 : i32
    %cond3A_11 = arith.cmpi ne, %convert_element_type3A_9, %cond3A_10 : i32
    scf.if %cond3A_11 {
      %add3A_26 = arith.constant 1 : i32
      %add3A_27 = arith.addi %arg0, %add3A_26 : i32
      %scan3A = arith.constant 0 : i32
      %scan3A_28 = arith.constant 256 : i32
      %scan3A_29 = arith.addi %scan3A, %scan3A_28 : i32
      %scan3A_30 = arith.constant 32 : i32
      scf.for %scan3A_32 = %scan3A to %scan3A_29 step %scan3A_30  : i32 {
        %mul3A = arith.constant 256 : i32
        %mul3A_33 = arith.muli %add3A_27, %mul3A : i32
        %add3A_34 = arith.addi %mul3A_33, %scan3A_32 : i32
        %get3A_35 = arith.index_cast %add3A_34 : i32 to index
        %get3A_36 = memref.load %arg1[%get3A_35] : memref<16384xi32, #tpu.memory_space<smem>>
        %dma_start3A = tpu.memref_slice %arg5[%rem3A_3] : memref<2x!tpu.dma_semaphore, #tpu.memory_space<semaphore_mem>> -> memref<1x!tpu.dma_semaphore, #tpu.memory_space<semaphore_mem>>
        %dma_start3A_37 = tpu.memref_squeeze %dma_start3A : memref<1x!tpu.dma_semaphore, #tpu.memory_space<semaphore_mem>> -> memref<!tpu.dma_semaphore, #tpu.memory_space<semaphore_mem>>
        %dma_start3A_38 = arith.constant 0 : i32
        %dma_start3A_39 = tpu.memref_slice %arg4[%rem3A_3, %scan3A_32, %dma_start3A_38] : memref<2x256x64xf32, #tpu.memory_space<vmem>> -> memref<1x1x64xf32, #tpu.memory_space<vmem>>
        %dma_start3A_40 = tpu.memref_squeeze %dma_start3A_39 : memref<1x1x64xf32, #tpu.memory_space<vmem>> -> memref<1x64xf32, #tpu.memory_space<vmem>>
        %dma_start3A_41 = arith.constant 0 : i32
        %dma_start3A_42 = tpu.memref_slice %arg2[%get3A_36, %dma_start3A_41] : memref<1000000x64xf32, #tpu.memory_space<hbm>> -> memref<1x64xf32, #tpu.memory_space<hbm>>
        tpu.enqueue_dma source(%dma_start3A_42 : memref<1x64xf32, #tpu.memory_space<hbm>>) target(%dma_start3A_40 : memref<1x64xf32, #tpu.memory_space<vmem>>) target_semaphore(%dma_start3A_37 : memref<!tpu.dma_semaphore, #tpu.memory_space<semaphore_mem>>)
        %scan3A_43 = arith.constant 1 : i32
        %scan3A_44 = arith.addi %scan3A_32, %scan3A_43 : i32
        %mul3A_45 = arith.constant 256 : i32
        %mul3A_46 = arith.muli %add3A_27, %mul3A_45 : i32
        %add3A_47 = arith.addi %mul3A_46, %scan3A_44 : i32
        %get3A_48 = arith.index_cast %add3A_47 : i32 to index
        %get3A_49 = memref.load %arg1[%get3A_48] : memref<16384xi32, #tpu.memory_space<smem>>
        %dma_start3A_50 = tpu.memref_slice %arg5[%rem3A_3] : memref<2x!tpu.dma_semaphore, #tpu.memory_space<semaphore_mem>> -> memref<1x!tpu.dma_semaphore, #tpu.memory_space<semaphore_mem>>
        %dma_start3A_51 = tpu.memref_squeeze %dma_start3A_50 : memref<1x!tpu.dma_semaphore, #tpu.memory_space<semaphore_mem>> -> memref<!tpu.dma_semaphore, #tpu.memory_space<semaphore_mem>>
        %dma_start3A_52 = arith.constant 0 : i32
        %dma_start3A_53 = tpu.memref_slice %arg4[%rem3A_3, %scan3A_44, %dma_start3A_52] : memref<2x256x64xf32, #tpu.memory_space<vmem>> -> memref<1x1x64xf32, #tpu.memory_space<vmem>>
        %dma_start3A_54 = tpu.memref_squeeze %dma_start3A_53 : memref<1x1x64xf32, #tpu.memory_space<vmem>> -> memref<1x64xf32, #tpu.memory_space<vmem>>
        %dma_start3A_55 = arith.constant 0 : i32
        %dma_start3A_56 = tpu.memref_slice %arg2[%get3A_49, %dma_start3A_55] : memref<1000000x64xf32, #tpu.memory_space<hbm>> -> memref<1x64xf32, #tpu.memory_space<hbm>>
        tpu.enqueue_dma source(%dma_start3A_56 : memref<1x64xf32, #tpu.memory_space<hbm>>) target(%dma_start3A_54 : memref<1x64xf32, #tpu.memory_space<vmem>>) target_semaphore(%dma_start3A_51 : memref<!tpu.dma_semaphore, #tpu.memory_space<semaphore_mem>>)
        %scan3A_57 = arith.constant 2 : i32
        %scan3A_58 = arith.addi %scan3A_32, %scan3A_57 : i32
        %mul3A_59 = arith.constant 256 : i32
        %mul3A_60 = arith.muli %add3A_27, %mul3A_59 : i32
        %add3A_61 = arith.addi %mul3A_60, %scan3A_58 : i32
        %get3A_62 = arith.index_cast %add3A_61 : i32 to index
        %get3A_63 = memref.load %arg1[%get3A_62] : memref<16384xi32, #tpu.memory_space<smem>>
        %dma_start3A_64 = tpu.memref_slice %arg5[%rem3A_3] : memref<2x!tpu.dma_semaphore, #tpu.memory_space<semaphore_mem>> -> memref<1x!tpu.dma_semaphore, #tpu.memory_space<semaphore_mem>>
        %dma_start3A_65 = tpu.memref_squeeze %dma_start3A_64 : memref<1x!tpu.dma_semaphore, #tpu.memory_space<semaphore_mem>> -> memref<!tpu.dma_semaphore, #tpu.memory_space<semaphore_mem>>
        %dma_start3A_66 = arith.constant 0 : i32
        %dma_start3A_67 = tpu.memref_slice %arg4[%rem3A_3, %scan3A_58, %dma_start3A_66] : memref<2x256x64xf32, #tpu.memory_space<vmem>> -> memref<1x1x64xf32, #tpu.memory_space<vmem>>
        %dma_start3A_68 = tpu.memref_squeeze %dma_start3A_67 : memref<1x1x64xf32, #tpu.memory_space<vmem>> -> memref<1x64xf32, #tpu.memory_space<vmem>>
        %dma_start3A_69 = arith.constant 0 : i32
        %dma_start3A_70 = tpu.memref_slice %arg2[%get3A_63, %dma_start3A_69] : memref<1000000x64xf32, #tpu.memory_space<hbm>> -> memref<1x64xf32, #tpu.memory_space<hbm>>
        tpu.enqueue_dma source(%dma_start3A_70 : memref<1x64xf32, #tpu.memory_space<hbm>>) target(%dma_start3A_68 : memref<1x64xf32, #tpu.memory_space<vmem>>) target_semaphore(%dma_start3A_65 : memref<!tpu.dma_semaphore, #tpu.memory_space<semaphore_mem>>)
        %scan3A_71 = arith.constant 3 : i32
        %scan3A_72 = arith.addi %scan3A_32, %scan3A_71 : i32
        %mul3A_73 = arith.constant 256 : i32
        %mul3A_74 = arith.muli %add3A_27, %mul3A_73 : i32
        %add3A_75 = arith.addi %mul3A_74, %scan3A_72 : i32
        %get3A_76 = arith.index_cast %add3A_75 : i32 to index
        %get3A_77 = memref.load %arg1[%get3A_76] : memref<16384xi32, #tpu.memory_space<smem>>
        %dma_start3A_78 = tpu.memref_slice %arg5[%rem3A_3] : memref<2x!tpu.dma_semaphore, #tpu.memory_space<semaphore_mem>> -> memref<1x!tpu.dma_semaphore, #tpu.memory_space<semaphore_mem>>
        %dma_start3A_79 = tpu.memref_squeeze %dma_start3A_78 : memref<1x!tpu.dma_semaphore, #tpu.memory_space<semaphore_mem>> -> memref<!tpu.dma_semaphore, #tpu.memory_space<semaphore_mem>>
        %dma_start3A_80 = arith.constant 0 : i32
        %dma_start3A_81 = tpu.memref_slice %arg4[%rem3A_3, %scan3A_72, %dma_start3A_80] : memref<2x256x64xf32, #tpu.memory_space<vmem>> -> memref<1x1x64xf32, #tpu.memory_space<vmem>>
        %dma_start3A_82 = tpu.memref_squeeze %dma_start3A_81 : memref<1x1x64xf32, #tpu.memory_space<vmem>> -> memref<1x64xf32, #tpu.memory_space<vmem>>
        %dma_start3A_83 = arith.constant 0 : i32
        %dma_start3A_84 = tpu.memref_slice %arg2[%get3A_77, %dma_start3A_83] : memref<1000000x64xf32, #tpu.memory_space<hbm>> -> memref<1x64xf32, #tpu.memory_space<hbm>>
        tpu.enqueue_dma source(%dma_start3A_84 : memref<1x64xf32, #tpu.memory_space<hbm>>) target(%dma_start3A_82 : memref<1x64xf32, #tpu.memory_space<vmem>>) target_semaphore(%dma_start3A_79 : memref<!tpu.dma_semaphore, #tpu.memory_space<semaphore_mem>>)
        %scan3A_85 = arith.constant 4 : i32
        %scan3A_86 = arith.addi %scan3A_32, %scan3A_85 : i32
        %mul3A_87 = arith.constant 256 : i32
        %mul3A_88 = arith.muli %add3A_27, %mul3A_87 : i32
        %add3A_89 = arith.addi %mul3A_88, %scan3A_86 : i32
        %get3A_90 = arith.index_cast %add3A_89 : i32 to index
        %get3A_91 = memref.load %arg1[%get3A_90] : memref<16384xi32, #tpu.memory_space<smem>>
        %dma_start3A_92 = tpu.memref_slice %arg5[%rem3A_3] : memref<2x!tpu.dma_semaphore, #tpu.memory_space<semaphore_mem>> -> memref<1x!tpu.dma_semaphore, #tpu.memory_space<semaphore_mem>>
        %dma_start3A_93 = tpu.memref_squeeze %dma_start3A_92 : memref<1x!tpu.dma_semaphore, #tpu.memory_space<semaphore_mem>> -> memref<!tpu.dma_semaphore, #tpu.memory_space<semaphore_mem>>
        %dma_start3A_94 = arith.constant 0 : i32
        %dma_start3A_95 = tpu.memref_slice %arg4[%rem3A_3, %scan3A_86, %dma_start3A_94] : memref<2x256x64xf32, #tpu.memory_space<vmem>> -> memref<1x1x64xf32, #tpu.memory_space<vmem>>
        %dma_start3A_96 = tpu.memref_squeeze %dma_start3A_95 : memref<1x1x64xf32, #tpu.memory_space<vmem>> -> memref<1x64xf32, #tpu.memory_space<vmem>>
        %dma_start3A_97 = arith.constant 0 : i32
        %dma_start3A_98 = tpu.memref_slice %arg2[%get3A_91, %dma_start3A_97] : memref<1000000x64xf32, #tpu.memory_space<hbm>> -> memref<1x64xf32, #tpu.memory_space<hbm>>
        tpu.enqueue_dma source(%dma_start3A_98 : memref<1x64xf32, #tpu.memory_space<hbm>>) target(%dma_start3A_96 : memref<1x64xf32, #tpu.memory_space<vmem>>) target_semaphore(%dma_start3A_93 : memref<!tpu.dma_semaphore, #tpu.memory_space<semaphore_mem>>)
        %scan3A_99 = arith.constant 5 : i32
        %scan3A_100 = arith.addi %scan3A_32, %scan3A_99 : i32
        %mul3A_101 = arith.constant 256 : i32
        %mul3A_102 = arith.muli %add3A_27, %mul3A_101 : i32
        %add3A_103 = arith.addi %mul3A_102, %scan3A_100 : i32
        %get3A_104 = arith.index_cast %add3A_103 : i32 to index
        %get3A_105 = memref.load %arg1[%get3A_104] : memref<16384xi32, #tpu.memory_space<smem>>
        %dma_start3A_106 = tpu.memref_slice %arg5[%rem3A_3] : memref<2x!tpu.dma_semaphore, #tpu.memory_space<semaphore_mem>> -> memref<1x!tpu.dma_semaphore, #tpu.memory_space<semaphore_mem>>
        %dma_start3A_107 = tpu.memref_squeeze %dma_start3A_106 : memref<1x!tpu.dma_semaphore, #tpu.memory_space<semaphore_mem>> -> memref<!tpu.dma_semaphore, #tpu.memory_space<semaphore_mem>>
        %dma_start3A_108 = arith.constant 0 : i32
        %dma_start3A_109 = tpu.memref_slice %arg4[%rem3A_3, %scan3A_100, %dma_start3A_108] : memref<2x256x64xf32, #tpu.memory_space<vmem>> -> memref<1x1x64xf32, #tpu.memory_space<vmem>>
        %dma_start3A_110 = tpu.memref_squeeze %dma_start3A_109 : memref<1x1x64xf32, #tpu.memory_space<vmem>> -> memref<1x64xf32, #tpu.memory_space<vmem>>
        %dma_start3A_111 = arith.constant 0 : i32
        %dma_start3A_112 = tpu.memref_slice %arg2[%get3A_105, %dma_start3A_111] : memref<1000000x64xf32, #tpu.memory_space<hbm>> -> memref<1x64xf32, #tpu.memory_space<hbm>>
        tpu.enqueue_dma source(%dma_start3A_112 : memref<1x64xf32, #tpu.memory_space<hbm>>) target(%dma_start3A_110 : memref<1x64xf32, #tpu.memory_space<vmem>>) target_semaphore(%dma_start3A_107 : memref<!tpu.dma_semaphore, #tpu.memory_space<semaphore_mem>>)
        %scan3A_113 = arith.constant 6 : i32
        %scan3A_114 = arith.addi %scan3A_32, %scan3A_113 : i32
        %mul3A_115 = arith.constant 256 : i32
        %mul3A_116 = arith.muli %add3A_27, %mul3A_115 : i32
        %add3A_117 = arith.addi %mul3A_116, %scan3A_114 : i32
        %get3A_118 = arith.index_cast %add3A_117 : i32 to index
        %get3A_119 = memref.load %arg1[%get3A_118] : memref<16384xi32, #tpu.memory_space<smem>>
        %dma_start3A_120 = tpu.memref_slice %arg5[%rem3A_3] : memref<2x!tpu.dma_semaphore, #tpu.memory_space<semaphore_mem>> -> memref<1x!tpu.dma_semaphore, #tpu.memory_space<semaphore_mem>>
        %dma_start3A_121 = tpu.memref_squeeze %dma_start3A_120 : memref<1x!tpu.dma_semaphore, #tpu.memory_space<semaphore_mem>> -> memref<!tpu.dma_semaphore, #tpu.memory_space<semaphore_mem>>
        %dma_start3A_122 = arith.constant 0 : i32
        %dma_start3A_123 = tpu.memref_slice %arg4[%rem3A_3, %scan3A_114, %dma_start3A_122] : memref<2x256x64xf32, #tpu.memory_space<vmem>> -> memref<1x1x64xf32, #tpu.memory_space<vmem>>
        %dma_start3A_124 = tpu.memref_squeeze %dma_start3A_123 : memref<1x1x64xf32, #tpu.memory_space<vmem>> -> memref<1x64xf32, #tpu.memory_space<vmem>>
        %dma_start3A_125 = arith.constant 0 : i32
        %dma_start3A_126 = tpu.memref_slice %arg2[%get3A_119, %dma_start3A_125] : memref<1000000x64xf32, #tpu.memory_space<hbm>> -> memref<1x64xf32, #tpu.memory_space<hbm>>
        tpu.enqueue_dma source(%dma_start3A_126 : memref<1x64xf32, #tpu.memory_space<hbm>>) target(%dma_start3A_124 : memref<1x64xf32, #tpu.memory_space<vmem>>) target_semaphore(%dma_start3A_121 : memref<!tpu.dma_semaphore, #tpu.memory_space<semaphore_mem>>)
        %scan3A_127 = arith.constant 7 : i32
        %scan3A_128 = arith.addi %scan3A_32, %scan3A_127 : i32
        %mul3A_129 = arith.constant 256 : i32
        %mul3A_130 = arith.muli %add3A_27, %mul3A_129 : i32
        %add3A_131 = arith.addi %mul3A_130, %scan3A_128 : i32
        %get3A_132 = arith.index_cast %add3A_131 : i32 to index
        %get3A_133 = memref.load %arg1[%get3A_132] : memref<16384xi32, #tpu.memory_space<smem>>
        %dma_start3A_134 = tpu.memref_slice %arg5[%rem3A_3] : memref<2x!tpu.dma_semaphore, #tpu.memory_space<semaphore_mem>> -> memref<1x!tpu.dma_semaphore, #tpu.memory_space<semaphore_mem>>
        %dma_start3A_135 = tpu.memref_squeeze %dma_start3A_134 : memref<1x!tpu.dma_semaphore, #tpu.memory_space<semaphore_mem>> -> memref<!tpu.dma_semaphore, #tpu.memory_space<semaphore_mem>>
        %dma_start3A_136 = arith.constant 0 : i32
        %dma_start3A_137 = tpu.memref_slice %arg4[%rem3A_3, %scan3A_128, %dma_start3A_136] : memref<2x256x64xf32, #tpu.memory_space<vmem>> -> memref<1x1x64xf32, #tpu.memory_space<vmem>>
        %dma_start3A_138 = tpu.memref_squeeze %dma_start3A_137 : memref<1x1x64xf32, #tpu.memory_space<vmem>> -> memref<1x64xf32, #tpu.memory_space<vmem>>
        %dma_start3A_139 = arith.constant 0 : i32
        %dma_start3A_140 = tpu.memref_slice %arg2[%get3A_133, %dma_start3A_139] : memref<1000000x64xf32, #tpu.memory_space<hbm>> -> memref<1x64xf32, #tpu.memory_space<hbm>>
        tpu.enqueue_dma source(%dma_start3A_140 : memref<1x64xf32, #tpu.memory_space<hbm>>) target(%dma_start3A_138 : memref<1x64xf32, #tpu.memory_space<vmem>>) target_semaphore(%dma_start3A_135 : memref<!tpu.dma_semaphore, #tpu.memory_space<semaphore_mem>>)
        %scan3A_141 = arith.constant 8 : i32
        %scan3A_142 = arith.addi %scan3A_32, %scan3A_141 : i32
        %mul3A_143 = arith.constant 256 : i32
        %mul3A_144 = arith.muli %add3A_27, %mul3A_143 : i32
        %add3A_145 = arith.addi %mul3A_144, %scan3A_142 : i32
        %get3A_146 = arith.index_cast %add3A_145 : i32 to index
        %get3A_147 = memref.load %arg1[%get3A_146] : memref<16384xi32, #tpu.memory_space<smem>>
        %dma_start3A_148 = tpu.memref_slice %arg5[%rem3A_3] : memref<2x!tpu.dma_semaphore, #tpu.memory_space<semaphore_mem>> -> memref<1x!tpu.dma_semaphore, #tpu.memory_space<semaphore_mem>>
        %dma_start3A_149 = tpu.memref_squeeze %dma_start3A_148 : memref<1x!tpu.dma_semaphore, #tpu.memory_space<semaphore_mem>> -> memref<!tpu.dma_semaphore, #tpu.memory_space<semaphore_mem>>
        %dma_start3A_150 = arith.constant 0 : i32
        %dma_start3A_151 = tpu.memref_slice %arg4[%rem3A_3, %scan3A_142, %dma_start3A_150] : memref<2x256x64xf32, #tpu.memory_space<vmem>> -> memref<1x1x64xf32, #tpu.memory_space<vmem>>
        %dma_start3A_152 = tpu.memref_squeeze %dma_start3A_151 : memref<1x1x64xf32, #tpu.memory_space<vmem>> -> memref<1x64xf32, #tpu.memory_space<vmem>>
        %dma_start3A_153 = arith.constant 0 : i32
        %dma_start3A_154 = tpu.memref_slice %arg2[%get3A_147, %dma_start3A_153] : memref<1000000x64xf32, #tpu.memory_space<hbm>> -> memref<1x64xf32, #tpu.memory_space<hbm>>
        tpu.enqueue_dma source(%dma_start3A_154 : memref<1x64xf32, #tpu.memory_space<hbm>>) target(%dma_start3A_152 : memref<1x64xf32, #tpu.memory_space<vmem>>) target_semaphore(%dma_start3A_149 : memref<!tpu.dma_semaphore, #tpu.memory_space<semaphore_mem>>)
        %scan3A_155 = arith.constant 9 : i32
        %scan3A_156 = arith.addi %scan3A_32, %scan3A_155 : i32
        %mul3A_157 = arith.constant 256 : i32
        %mul3A_158 = arith.muli %add3A_27, %mul3A_157 : i32
        %add3A_159 = arith.addi %mul3A_158, %scan3A_156 : i32
        %get3A_160 = arith.index_cast %add3A_159 : i32 to index
        %get3A_161 = memref.load %arg1[%get3A_160] : memref<16384xi32, #tpu.memory_space<smem>>
        %dma_start3A_162 = tpu.memref_slice %arg5[%rem3A_3] : memref<2x!tpu.dma_semaphore, #tpu.memory_space<semaphore_mem>> -> memref<1x!tpu.dma_semaphore, #tpu.memory_space<semaphore_mem>>
        %dma_start3A_163 = tpu.memref_squeeze %dma_start3A_162 : memref<1x!tpu.dma_semaphore, #tpu.memory_space<semaphore_mem>> -> memref<!tpu.dma_semaphore, #tpu.memory_space<semaphore_mem>>
        %dma_start3A_164 = arith.constant 0 : i32
        %dma_start3A_165 = tpu.memref_slice %arg4[%rem3A_3, %scan3A_156, %dma_start3A_164] : memref<2x256x64xf32, #tpu.memory_space<vmem>> -> memref<1x1x64xf32, #tpu.memory_space<vmem>>
        %dma_start3A_166 = tpu.memref_squeeze %dma_start3A_165 : memref<1x1x64xf32, #tpu.memory_space<vmem>> -> memref<1x64xf32, #tpu.memory_space<vmem>>
        %dma_start3A_167 = arith.constant 0 : i32
        %dma_start3A_168 = tpu.memref_slice %arg2[%get3A_161, %dma_start3A_167] : memref<1000000x64xf32, #tpu.memory_space<hbm>> -> memref<1x64xf32, #tpu.memory_space<hbm>>
        tpu.enqueue_dma source(%dma_start3A_168 : memref<1x64xf32, #tpu.memory_space<hbm>>) target(%dma_start3A_166 : memref<1x64xf32, #tpu.memory_space<vmem>>) target_semaphore(%dma_start3A_163 : memref<!tpu.dma_semaphore, #tpu.memory_space<semaphore_mem>>)
        %scan3A_169 = arith.constant 10 : i32
        %scan3A_170 = arith.addi %scan3A_32, %scan3A_169 : i32
        %mul3A_171 = arith.constant 256 : i32
        %mul3A_172 = arith.muli %add3A_27, %mul3A_171 : i32
        %add3A_173 = arith.addi %mul3A_172, %scan3A_170 : i32
        %get3A_174 = arith.index_cast %add3A_173 : i32 to index
        %get3A_175 = memref.load %arg1[%get3A_174] : memref<16384xi32, #tpu.memory_space<smem>>
        %dma_start3A_176 = tpu.memref_slice %arg5[%rem3A_3] : memref<2x!tpu.dma_semaphore, #tpu.memory_space<semaphore_mem>> -> memref<1x!tpu.dma_semaphore, #tpu.memory_space<semaphore_mem>>
        %dma_start3A_177 = tpu.memref_squeeze %dma_start3A_176 : memref<1x!tpu.dma_semaphore, #tpu.memory_space<semaphore_mem>> -> memref<!tpu.dma_semaphore, #tpu.memory_space<semaphore_mem>>
        %dma_start3A_178 = arith.constant 0 : i32
        %dma_start3A_179 = tpu.memref_slice %arg4[%rem3A_3, %scan3A_170, %dma_start3A_178] : memref<2x256x64xf32, #tpu.memory_space<vmem>> -> memref<1x1x64xf32, #tpu.memory_space<vmem>>
        %dma_start3A_180 = tpu.memref_squeeze %dma_start3A_179 : memref<1x1x64xf32, #tpu.memory_space<vmem>> -> memref<1x64xf32, #tpu.memory_space<vmem>>
        %dma_start3A_181 = arith.constant 0 : i32
        %dma_start3A_182 = tpu.memref_slice %arg2[%get3A_175, %dma_start3A_181] : memref<1000000x64xf32, #tpu.memory_space<hbm>> -> memref<1x64xf32, #tpu.memory_space<hbm>>
        tpu.enqueue_dma source(%dma_start3A_182 : memref<1x64xf32, #tpu.memory_space<hbm>>) target(%dma_start3A_180 : memref<1x64xf32, #tpu.memory_space<vmem>>) target_semaphore(%dma_start3A_177 : memref<!tpu.dma_semaphore, #tpu.memory_space<semaphore_mem>>)
        %scan3A_183 = arith.constant 11 : i32
        %scan3A_184 = arith.addi %scan3A_32, %scan3A_183 : i32
        %mul3A_185 = arith.constant 256 : i32
        %mul3A_186 = arith.muli %add3A_27, %mul3A_185 : i32
        %add3A_187 = arith.addi %mul3A_186, %scan3A_184 : i32
        %get3A_188 = arith.index_cast %add3A_187 : i32 to index
        %get3A_189 = memref.load %arg1[%get3A_188] : memref<16384xi32, #tpu.memory_space<smem>>
        %dma_start3A_190 = tpu.memref_slice %arg5[%rem3A_3] : memref<2x!tpu.dma_semaphore, #tpu.memory_space<semaphore_mem>> -> memref<1x!tpu.dma_semaphore, #tpu.memory_space<semaphore_mem>>
        %dma_start3A_191 = tpu.memref_squeeze %dma_start3A_190 : memref<1x!tpu.dma_semaphore, #tpu.memory_space<semaphore_mem>> -> memref<!tpu.dma_semaphore, #tpu.memory_space<semaphore_mem>>
        %dma_start3A_192 = arith.constant 0 : i32
        %dma_start3A_193 = tpu.memref_slice %arg4[%rem3A_3, %scan3A_184, %dma_start3A_192] : memref<2x256x64xf32, #tpu.memory_space<vmem>> -> memref<1x1x64xf32, #tpu.memory_space<vmem>>
        %dma_start3A_194 = tpu.memref_squeeze %dma_start3A_193 : memref<1x1x64xf32, #tpu.memory_space<vmem>> -> memref<1x64xf32, #tpu.memory_space<vmem>>
        %dma_start3A_195 = arith.constant 0 : i32
        %dma_start3A_196 = tpu.memref_slice %arg2[%get3A_189, %dma_start3A_195] : memref<1000000x64xf32, #tpu.memory_space<hbm>> -> memref<1x64xf32, #tpu.memory_space<hbm>>
        tpu.enqueue_dma source(%dma_start3A_196 : memref<1x64xf32, #tpu.memory_space<hbm>>) target(%dma_start3A_194 : memref<1x64xf32, #tpu.memory_space<vmem>>) target_semaphore(%dma_start3A_191 : memref<!tpu.dma_semaphore, #tpu.memory_space<semaphore_mem>>)
        %scan3A_197 = arith.constant 12 : i32
        %scan3A_198 = arith.addi %scan3A_32, %scan3A_197 : i32
        %mul3A_199 = arith.constant 256 : i32
        %mul3A_200 = arith.muli %add3A_27, %mul3A_199 : i32
        %add3A_201 = arith.addi %mul3A_200, %scan3A_198 : i32
        %get3A_202 = arith.index_cast %add3A_201 : i32 to index
        %get3A_203 = memref.load %arg1[%get3A_202] : memref<16384xi32, #tpu.memory_space<smem>>
        %dma_start3A_204 = tpu.memref_slice %arg5[%rem3A_3] : memref<2x!tpu.dma_semaphore, #tpu.memory_space<semaphore_mem>> -> memref<1x!tpu.dma_semaphore, #tpu.memory_space<semaphore_mem>>
        %dma_start3A_205 = tpu.memref_squeeze %dma_start3A_204 : memref<1x!tpu.dma_semaphore, #tpu.memory_space<semaphore_mem>> -> memref<!tpu.dma_semaphore, #tpu.memory_space<semaphore_mem>>
        %dma_start3A_206 = arith.constant 0 : i32
        %dma_start3A_207 = tpu.memref_slice %arg4[%rem3A_3, %scan3A_198, %dma_start3A_206] : memref<2x256x64xf32, #tpu.memory_space<vmem>> -> memref<1x1x64xf32, #tpu.memory_space<vmem>>
        %dma_start3A_208 = tpu.memref_squeeze %dma_start3A_207 : memref<1x1x64xf32, #tpu.memory_space<vmem>> -> memref<1x64xf32, #tpu.memory_space<vmem>>
        %dma_start3A_209 = arith.constant 0 : i32
        %dma_start3A_210 = tpu.memref_slice %arg2[%get3A_203, %dma_start3A_209] : memref<1000000x64xf32, #tpu.memory_space<hbm>> -> memref<1x64xf32, #tpu.memory_space<hbm>>
        tpu.enqueue_dma source(%dma_start3A_210 : memref<1x64xf32, #tpu.memory_space<hbm>>) target(%dma_start3A_208 : memref<1x64xf32, #tpu.memory_space<vmem>>) target_semaphore(%dma_start3A_205 : memref<!tpu.dma_semaphore, #tpu.memory_space<semaphore_mem>>)
        %scan3A_211 = arith.constant 13 : i32
        %scan3A_212 = arith.addi %scan3A_32, %scan3A_211 : i32
        %mul3A_213 = arith.constant 256 : i32
        %mul3A_214 = arith.muli %add3A_27, %mul3A_213 : i32
        %add3A_215 = arith.addi %mul3A_214, %scan3A_212 : i32
        %get3A_216 = arith.index_cast %add3A_215 : i32 to index
        %get3A_217 = memref.load %arg1[%get3A_216] : memref<16384xi32, #tpu.memory_space<smem>>
        %dma_start3A_218 = tpu.memref_slice %arg5[%rem3A_3] : memref<2x!tpu.dma_semaphore, #tpu.memory_space<semaphore_mem>> -> memref<1x!tpu.dma_semaphore, #tpu.memory_space<semaphore_mem>>
        %dma_start3A_219 = tpu.memref_squeeze %dma_start3A_218 : memref<1x!tpu.dma_semaphore, #tpu.memory_space<semaphore_mem>> -> memref<!tpu.dma_semaphore, #tpu.memory_space<semaphore_mem>>
        %dma_start3A_220 = arith.constant 0 : i32
        %dma_start3A_221 = tpu.memref_slice %arg4[%rem3A_3, %scan3A_212, %dma_start3A_220] : memref<2x256x64xf32, #tpu.memory_space<vmem>> -> memref<1x1x64xf32, #tpu.memory_space<vmem>>
        %dma_start3A_222 = tpu.memref_squeeze %dma_start3A_221 : memref<1x1x64xf32, #tpu.memory_space<vmem>> -> memref<1x64xf32, #tpu.memory_space<vmem>>
        %dma_start3A_223 = arith.constant 0 : i32
        %dma_start3A_224 = tpu.memref_slice %arg2[%get3A_217, %dma_start3A_223] : memref<1000000x64xf32, #tpu.memory_space<hbm>> -> memref<1x64xf32, #tpu.memory_space<hbm>>
        tpu.enqueue_dma source(%dma_start3A_224 : memref<1x64xf32, #tpu.memory_space<hbm>>) target(%dma_start3A_222 : memref<1x64xf32, #tpu.memory_space<vmem>>) target_semaphore(%dma_start3A_219 : memref<!tpu.dma_semaphore, #tpu.memory_space<semaphore_mem>>)
        %scan3A_225 = arith.constant 14 : i32
        %scan3A_226 = arith.addi %scan3A_32, %scan3A_225 : i32
        %mul3A_227 = arith.constant 256 : i32
        %mul3A_228 = arith.muli %add3A_27, %mul3A_227 : i32
        %add3A_229 = arith.addi %mul3A_228, %scan3A_226 : i32
        %get3A_230 = arith.index_cast %add3A_229 : i32 to index
        %get3A_231 = memref.load %arg1[%get3A_230] : memref<16384xi32, #tpu.memory_space<smem>>
        %dma_start3A_232 = tpu.memref_slice %arg5[%rem3A_3] : memref<2x!tpu.dma_semaphore, #tpu.memory_space<semaphore_mem>> -> memref<1x!tpu.dma_semaphore, #tpu.memory_space<semaphore_mem>>
        %dma_start3A_233 = tpu.memref_squeeze %dma_start3A_232 : memref<1x!tpu.dma_semaphore, #tpu.memory_space<semaphore_mem>> -> memref<!tpu.dma_semaphore, #tpu.memory_space<semaphore_mem>>
        %dma_start3A_234 = arith.constant 0 : i32
        %dma_start3A_235 = tpu.memref_slice %arg4[%rem3A_3, %scan3A_226, %dma_start3A_234] : memref<2x256x64xf32, #tpu.memory_space<vmem>> -> memref<1x1x64xf32, #tpu.memory_space<vmem>>
        %dma_start3A_236 = tpu.memref_squeeze %dma_start3A_235 : memref<1x1x64xf32, #tpu.memory_space<vmem>> -> memref<1x64xf32, #tpu.memory_space<vmem>>
        %dma_start3A_237 = arith.constant 0 : i32
        %dma_start3A_238 = tpu.memref_slice %arg2[%get3A_231, %dma_start3A_237] : memref<1000000x64xf32, #tpu.memory_space<hbm>> -> memref<1x64xf32, #tpu.memory_space<hbm>>
        tpu.enqueue_dma source(%dma_start3A_238 : memref<1x64xf32, #tpu.memory_space<hbm>>) target(%dma_start3A_236 : memref<1x64xf32, #tpu.memory_space<vmem>>) target_semaphore(%dma_start3A_233 : memref<!tpu.dma_semaphore, #tpu.memory_space<semaphore_mem>>)
        %scan3A_239 = arith.constant 15 : i32
        %scan3A_240 = arith.addi %scan3A_32, %scan3A_239 : i32
        %mul3A_241 = arith.constant 256 : i32
        %mul3A_242 = arith.muli %add3A_27, %mul3A_241 : i32
        %add3A_243 = arith.addi %mul3A_242, %scan3A_240 : i32
        %get3A_244 = arith.index_cast %add3A_243 : i32 to index
        %get3A_245 = memref.load %arg1[%get3A_244] : memref<16384xi32, #tpu.memory_space<smem>>
        %dma_start3A_246 = tpu.memref_slice %arg5[%rem3A_3] : memref<2x!tpu.dma_semaphore, #tpu.memory_space<semaphore_mem>> -> memref<1x!tpu.dma_semaphore, #tpu.memory_space<semaphore_mem>>
        %dma_start3A_247 = tpu.memref_squeeze %dma_start3A_246 : memref<1x!tpu.dma_semaphore, #tpu.memory_space<semaphore_mem>> -> memref<!tpu.dma_semaphore, #tpu.memory_space<semaphore_mem>>
        %dma_start3A_248 = arith.constant 0 : i32
        %dma_start3A_249 = tpu.memref_slice %arg4[%rem3A_3, %scan3A_240, %dma_start3A_248] : memref<2x256x64xf32, #tpu.memory_space<vmem>> -> memref<1x1x64xf32, #tpu.memory_space<vmem>>
        %dma_start3A_250 = tpu.memref_squeeze %dma_start3A_249 : memref<1x1x64xf32, #tpu.memory_space<vmem>> -> memref<1x64xf32, #tpu.memory_space<vmem>>
        %dma_start3A_251 = arith.constant 0 : i32
        %dma_start3A_252 = tpu.memref_slice %arg2[%get3A_245, %dma_start3A_251] : memref<1000000x64xf32, #tpu.memory_space<hbm>> -> memref<1x64xf32, #tpu.memory_space<hbm>>
        tpu.enqueue_dma source(%dma_start3A_252 : memref<1x64xf32, #tpu.memory_space<hbm>>) target(%dma_start3A_250 : memref<1x64xf32, #tpu.memory_space<vmem>>) target_semaphore(%dma_start3A_247 : memref<!tpu.dma_semaphore, #tpu.memory_space<semaphore_mem>>)
        %scan3A_253 = arith.constant 16 : i32
        %scan3A_254 = arith.addi %scan3A_32, %scan3A_253 : i32
        %mul3A_255 = arith.constant 256 : i32
        %mul3A_256 = arith.muli %add3A_27, %mul3A_255 : i32
        %add3A_257 = arith.addi %mul3A_256, %scan3A_254 : i32
        %get3A_258 = arith.index_cast %add3A_257 : i32 to index
        %get3A_259 = memref.load %arg1[%get3A_258] : memref<16384xi32, #tpu.memory_space<smem>>
        %dma_start3A_260 = tpu.memref_slice %arg5[%rem3A_3] : memref<2x!tpu.dma_semaphore, #tpu.memory_space<semaphore_mem>> -> memref<1x!tpu.dma_semaphore, #tpu.memory_space<semaphore_mem>>
        %dma_start3A_261 = tpu.memref_squeeze %dma_start3A_260 : memref<1x!tpu.dma_semaphore, #tpu.memory_space<semaphore_mem>> -> memref<!tpu.dma_semaphore, #tpu.memory_space<semaphore_mem>>
        %dma_start3A_262 = arith.constant 0 : i32
        %dma_start3A_263 = tpu.memref_slice %arg4[%rem3A_3, %scan3A_254, %dma_start3A_262] : memref<2x256x64xf32, #tpu.memory_space<vmem>> -> memref<1x1x64xf32, #tpu.memory_space<vmem>>
        %dma_start3A_264 = tpu.memref_squeeze %dma_start3A_263 : memref<1x1x64xf32, #tpu.memory_space<vmem>> -> memref<1x64xf32, #tpu.memory_space<vmem>>
        %dma_start3A_265 = arith.constant 0 : i32
        %dma_start3A_266 = tpu.memref_slice %arg2[%get3A_259, %dma_start3A_265] : memref<1000000x64xf32, #tpu.memory_space<hbm>> -> memref<1x64xf32, #tpu.memory_space<hbm>>
        tpu.enqueue_dma source(%dma_start3A_266 : memref<1x64xf32, #tpu.memory_space<hbm>>) target(%dma_start3A_264 : memref<1x64xf32, #tpu.memory_space<vmem>>) target_semaphore(%dma_start3A_261 : memref<!tpu.dma_semaphore, #tpu.memory_space<semaphore_mem>>)
        %scan3A_267 = arith.constant 17 : i32
        %scan3A_268 = arith.addi %scan3A_32, %scan3A_267 : i32
        %mul3A_269 = arith.constant 256 : i32
        %mul3A_270 = arith.muli %add3A_27, %mul3A_269 : i32
        %add3A_271 = arith.addi %mul3A_270, %scan3A_268 : i32
        %get3A_272 = arith.index_cast %add3A_271 : i32 to index
        %get3A_273 = memref.load %arg1[%get3A_272] : memref<16384xi32, #tpu.memory_space<smem>>
        %dma_start3A_274 = tpu.memref_slice %arg5[%rem3A_3] : memref<2x!tpu.dma_semaphore, #tpu.memory_space<semaphore_mem>> -> memref<1x!tpu.dma_semaphore, #tpu.memory_space<semaphore_mem>>
        %dma_start3A_275 = tpu.memref_squeeze %dma_start3A_274 : memref<1x!tpu.dma_semaphore, #tpu.memory_space<semaphore_mem>> -> memref<!tpu.dma_semaphore, #tpu.memory_space<semaphore_mem>>
        %dma_start3A_276 = arith.constant 0 : i32
        %dma_start3A_277 = tpu.memref_slice %arg4[%rem3A_3, %scan3A_268, %dma_start3A_276] : memref<2x256x64xf32, #tpu.memory_space<vmem>> -> memref<1x1x64xf32, #tpu.memory_space<vmem>>
        %dma_start3A_278 = tpu.memref_squeeze %dma_start3A_277 : memref<1x1x64xf32, #tpu.memory_space<vmem>> -> memref<1x64xf32, #tpu.memory_space<vmem>>
        %dma_start3A_279 = arith.constant 0 : i32
        %dma_start3A_280 = tpu.memref_slice %arg2[%get3A_273, %dma_start3A_279] : memref<1000000x64xf32, #tpu.memory_space<hbm>> -> memref<1x64xf32, #tpu.memory_space<hbm>>
        tpu.enqueue_dma source(%dma_start3A_280 : memref<1x64xf32, #tpu.memory_space<hbm>>) target(%dma_start3A_278 : memref<1x64xf32, #tpu.memory_space<vmem>>) target_semaphore(%dma_start3A_275 : memref<!tpu.dma_semaphore, #tpu.memory_space<semaphore_mem>>)
        %scan3A_281 = arith.constant 18 : i32
        %scan3A_282 = arith.addi %scan3A_32, %scan3A_281 : i32
        %mul3A_283 = arith.constant 256 : i32
        %mul3A_284 = arith.muli %add3A_27, %mul3A_283 : i32
        %add3A_285 = arith.addi %mul3A_284, %scan3A_282 : i32
        %get3A_286 = arith.index_cast %add3A_285 : i32 to index
        %get3A_287 = memref.load %arg1[%get3A_286] : memref<16384xi32, #tpu.memory_space<smem>>
        %dma_start3A_288 = tpu.memref_slice %arg5[%rem3A_3] : memref<2x!tpu.dma_semaphore, #tpu.memory_space<semaphore_mem>> -> memref<1x!tpu.dma_semaphore, #tpu.memory_space<semaphore_mem>>
        %dma_start3A_289 = tpu.memref_squeeze %dma_start3A_288 : memref<1x!tpu.dma_semaphore, #tpu.memory_space<semaphore_mem>> -> memref<!tpu.dma_semaphore, #tpu.memory_space<semaphore_mem>>
        %dma_start3A_290 = arith.constant 0 : i32
        %dma_start3A_291 = tpu.memref_slice %arg4[%rem3A_3, %scan3A_282, %dma_start3A_290] : memref<2x256x64xf32, #tpu.memory_space<vmem>> -> memref<1x1x64xf32, #tpu.memory_space<vmem>>
        %dma_start3A_292 = tpu.memref_squeeze %dma_start3A_291 : memref<1x1x64xf32, #tpu.memory_space<vmem>> -> memref<1x64xf32, #tpu.memory_space<vmem>>
        %dma_start3A_293 = arith.constant 0 : i32
        %dma_start3A_294 = tpu.memref_slice %arg2[%get3A_287, %dma_start3A_293] : memref<1000000x64xf32, #tpu.memory_space<hbm>> -> memref<1x64xf32, #tpu.memory_space<hbm>>
        tpu.enqueue_dma source(%dma_start3A_294 : memref<1x64xf32, #tpu.memory_space<hbm>>) target(%dma_start3A_292 : memref<1x64xf32, #tpu.memory_space<vmem>>) target_semaphore(%dma_start3A_289 : memref<!tpu.dma_semaphore, #tpu.memory_space<semaphore_mem>>)
        %scan3A_295 = arith.constant 19 : i32
        %scan3A_296 = arith.addi %scan3A_32, %scan3A_295 : i32
        %mul3A_297 = arith.constant 256 : i32
        %mul3A_298 = arith.muli %add3A_27, %mul3A_297 : i32
        %add3A_299 = arith.addi %mul3A_298, %scan3A_296 : i32
        %get3A_300 = arith.index_cast %add3A_299 : i32 to index
        %get3A_301 = memref.load %arg1[%get3A_300] : memref<16384xi32, #tpu.memory_space<smem>>
        %dma_start3A_302 = tpu.memref_slice %arg5[%rem3A_3] : memref<2x!tpu.dma_semaphore, #tpu.memory_space<semaphore_mem>> -> memref<1x!tpu.dma_semaphore, #tpu.memory_space<semaphore_mem>>
        %dma_start3A_303 = tpu.memref_squeeze %dma_start3A_302 : memref<1x!tpu.dma_semaphore, #tpu.memory_space<semaphore_mem>> -> memref<!tpu.dma_semaphore, #tpu.memory_space<semaphore_mem>>
        %dma_start3A_304 = arith.constant 0 : i32
        %dma_start3A_305 = tpu.memref_slice %arg4[%rem3A_3, %scan3A_296, %dma_start3A_304] : memref<2x256x64xf32, #tpu.memory_space<vmem>> -> memref<1x1x64xf32, #tpu.memory_space<vmem>>
        %dma_start3A_306 = tpu.memref_squeeze %dma_start3A_305 : memref<1x1x64xf32, #tpu.memory_space<vmem>> -> memref<1x64xf32, #tpu.memory_space<vmem>>
        %dma_start3A_307 = arith.constant 0 : i32
        %dma_start3A_308 = tpu.memref_slice %arg2[%get3A_301, %dma_start3A_307] : memref<1000000x64xf32, #tpu.memory_space<hbm>> -> memref<1x64xf32, #tpu.memory_space<hbm>>
        tpu.enqueue_dma source(%dma_start3A_308 : memref<1x64xf32, #tpu.memory_space<hbm>>) target(%dma_start3A_306 : memref<1x64xf32, #tpu.memory_space<vmem>>) target_semaphore(%dma_start3A_303 : memref<!tpu.dma_semaphore, #tpu.memory_space<semaphore_mem>>)
        %scan3A_309 = arith.constant 20 : i32
        %scan3A_310 = arith.addi %scan3A_32, %scan3A_309 : i32
        %mul3A_311 = arith.constant 256 : i32
        %mul3A_312 = arith.muli %add3A_27, %mul3A_311 : i32
        %add3A_313 = arith.addi %mul3A_312, %scan3A_310 : i32
        %get3A_314 = arith.index_cast %add3A_313 : i32 to index
        %get3A_315 = memref.load %arg1[%get3A_314] : memref<16384xi32, #tpu.memory_space<smem>>
        %dma_start3A_316 = tpu.memref_slice %arg5[%rem3A_3] : memref<2x!tpu.dma_semaphore, #tpu.memory_space<semaphore_mem>> -> memref<1x!tpu.dma_semaphore, #tpu.memory_space<semaphore_mem>>
        %dma_start3A_317 = tpu.memref_squeeze %dma_start3A_316 : memref<1x!tpu.dma_semaphore, #tpu.memory_space<semaphore_mem>> -> memref<!tpu.dma_semaphore, #tpu.memory_space<semaphore_mem>>
        %dma_start3A_318 = arith.constant 0 : i32
        %dma_start3A_319 = tpu.memref_slice %arg4[%rem3A_3, %scan3A_310, %dma_start3A_318] : memref<2x256x64xf32, #tpu.memory_space<vmem>> -> memref<1x1x64xf32, #tpu.memory_space<vmem>>
        %dma_start3A_320 = tpu.memref_squeeze %dma_start3A_319 : memref<1x1x64xf32, #tpu.memory_space<vmem>> -> memref<1x64xf32, #tpu.memory_space<vmem>>
        %dma_start3A_321 = arith.constant 0 : i32
        %dma_start3A_322 = tpu.memref_slice %arg2[%get3A_315, %dma_start3A_321] : memref<1000000x64xf32, #tpu.memory_space<hbm>> -> memref<1x64xf32, #tpu.memory_space<hbm>>
        tpu.enqueue_dma source(%dma_start3A_322 : memref<1x64xf32, #tpu.memory_space<hbm>>) target(%dma_start3A_320 : memref<1x64xf32, #tpu.memory_space<vmem>>) target_semaphore(%dma_start3A_317 : memref<!tpu.dma_semaphore, #tpu.memory_space<semaphore_mem>>)
        %scan3A_323 = arith.constant 21 : i32
        %scan3A_324 = arith.addi %scan3A_32, %scan3A_323 : i32
        %mul3A_325 = arith.constant 256 : i32
        %mul3A_326 = arith.muli %add3A_27, %mul3A_325 : i32
        %add3A_327 = arith.addi %mul3A_326, %scan3A_324 : i32
        %get3A_328 = arith.index_cast %add3A_327 : i32 to index
        %get3A_329 = memref.load %arg1[%get3A_328] : memref<16384xi32, #tpu.memory_space<smem>>
        %dma_start3A_330 = tpu.memref_slice %arg5[%rem3A_3] : memref<2x!tpu.dma_semaphore, #tpu.memory_space<semaphore_mem>> -> memref<1x!tpu.dma_semaphore, #tpu.memory_space<semaphore_mem>>
        %dma_start3A_331 = tpu.memref_squeeze %dma_start3A_330 : memref<1x!tpu.dma_semaphore, #tpu.memory_space<semaphore_mem>> -> memref<!tpu.dma_semaphore, #tpu.memory_space<semaphore_mem>>
        %dma_start3A_332 = arith.constant 0 : i32
        %dma_start3A_333 = tpu.memref_slice %arg4[%rem3A_3, %scan3A_324, %dma_start3A_332] : memref<2x256x64xf32, #tpu.memory_space<vmem>> -> memref<1x1x64xf32, #tpu.memory_space<vmem>>
        %dma_start3A_334 = tpu.memref_squeeze %dma_start3A_333 : memref<1x1x64xf32, #tpu.memory_space<vmem>> -> memref<1x64xf32, #tpu.memory_space<vmem>>
        %dma_start3A_335 = arith.constant 0 : i32
        %dma_start3A_336 = tpu.memref_slice %arg2[%get3A_329, %dma_start3A_335] : memref<1000000x64xf32, #tpu.memory_space<hbm>> -> memref<1x64xf32, #tpu.memory_space<hbm>>
        tpu.enqueue_dma source(%dma_start3A_336 : memref<1x64xf32, #tpu.memory_space<hbm>>) target(%dma_start3A_334 : memref<1x64xf32, #tpu.memory_space<vmem>>) target_semaphore(%dma_start3A_331 : memref<!tpu.dma_semaphore, #tpu.memory_space<semaphore_mem>>)
        %scan3A_337 = arith.constant 22 : i32
        %scan3A_338 = arith.addi %scan3A_32, %scan3A_337 : i32
        %mul3A_339 = arith.constant 256 : i32
        %mul3A_340 = arith.muli %add3A_27, %mul3A_339 : i32
        %add3A_341 = arith.addi %mul3A_340, %scan3A_338 : i32
        %get3A_342 = arith.index_cast %add3A_341 : i32 to index
        %get3A_343 = memref.load %arg1[%get3A_342] : memref<16384xi32, #tpu.memory_space<smem>>
        %dma_start3A_344 = tpu.memref_slice %arg5[%rem3A_3] : memref<2x!tpu.dma_semaphore, #tpu.memory_space<semaphore_mem>> -> memref<1x!tpu.dma_semaphore, #tpu.memory_space<semaphore_mem>>
        %dma_start3A_345 = tpu.memref_squeeze %dma_start3A_344 : memref<1x!tpu.dma_semaphore, #tpu.memory_space<semaphore_mem>> -> memref<!tpu.dma_semaphore, #tpu.memory_space<semaphore_mem>>
        %dma_start3A_346 = arith.constant 0 : i32
        %dma_start3A_347 = tpu.memref_slice %arg4[%rem3A_3, %scan3A_338, %dma_start3A_346] : memref<2x256x64xf32, #tpu.memory_space<vmem>> -> memref<1x1x64xf32, #tpu.memory_space<vmem>>
        %dma_start3A_348 = tpu.memref_squeeze %dma_start3A_347 : memref<1x1x64xf32, #tpu.memory_space<vmem>> -> memref<1x64xf32, #tpu.memory_space<vmem>>
        %dma_start3A_349 = arith.constant 0 : i32
        %dma_start3A_350 = tpu.memref_slice %arg2[%get3A_343, %dma_start3A_349] : memref<1000000x64xf32, #tpu.memory_space<hbm>> -> memref<1x64xf32, #tpu.memory_space<hbm>>
        tpu.enqueue_dma source(%dma_start3A_350 : memref<1x64xf32, #tpu.memory_space<hbm>>) target(%dma_start3A_348 : memref<1x64xf32, #tpu.memory_space<vmem>>) target_semaphore(%dma_start3A_345 : memref<!tpu.dma_semaphore, #tpu.memory_space<semaphore_mem>>)
        %scan3A_351 = arith.constant 23 : i32
        %scan3A_352 = arith.addi %scan3A_32, %scan3A_351 : i32
        %mul3A_353 = arith.constant 256 : i32
        %mul3A_354 = arith.muli %add3A_27, %mul3A_353 : i32
        %add3A_355 = arith.addi %mul3A_354, %scan3A_352 : i32
        %get3A_356 = arith.index_cast %add3A_355 : i32 to index
        %get3A_357 = memref.load %arg1[%get3A_356] : memref<16384xi32, #tpu.memory_space<smem>>
        %dma_start3A_358 = tpu.memref_slice %arg5[%rem3A_3] : memref<2x!tpu.dma_semaphore, #tpu.memory_space<semaphore_mem>> -> memref<1x!tpu.dma_semaphore, #tpu.memory_space<semaphore_mem>>
        %dma_start3A_359 = tpu.memref_squeeze %dma_start3A_358 : memref<1x!tpu.dma_semaphore, #tpu.memory_space<semaphore_mem>> -> memref<!tpu.dma_semaphore, #tpu.memory_space<semaphore_mem>>
        %dma_start3A_360 = arith.constant 0 : i32
        %dma_start3A_361 = tpu.memref_slice %arg4[%rem3A_3, %scan3A_352, %dma_start3A_360] : memref<2x256x64xf32, #tpu.memory_space<vmem>> -> memref<1x1x64xf32, #tpu.memory_space<vmem>>
        %dma_start3A_362 = tpu.memref_squeeze %dma_start3A_361 : memref<1x1x64xf32, #tpu.memory_space<vmem>> -> memref<1x64xf32, #tpu.memory_space<vmem>>
        %dma_start3A_363 = arith.constant 0 : i32
        %dma_start3A_364 = tpu.memref_slice %arg2[%get3A_357, %dma_start3A_363] : memref<1000000x64xf32, #tpu.memory_space<hbm>> -> memref<1x64xf32, #tpu.memory_space<hbm>>
        tpu.enqueue_dma source(%dma_start3A_364 : memref<1x64xf32, #tpu.memory_space<hbm>>) target(%dma_start3A_362 : memref<1x64xf32, #tpu.memory_space<vmem>>) target_semaphore(%dma_start3A_359 : memref<!tpu.dma_semaphore, #tpu.memory_space<semaphore_mem>>)
        %scan3A_365 = arith.constant 24 : i32
        %scan3A_366 = arith.addi %scan3A_32, %scan3A_365 : i32
        %mul3A_367 = arith.constant 256 : i32
        %mul3A_368 = arith.muli %add3A_27, %mul3A_367 : i32
        %add3A_369 = arith.addi %mul3A_368, %scan3A_366 : i32
        %get3A_370 = arith.index_cast %add3A_369 : i32 to index
        %get3A_371 = memref.load %arg1[%get3A_370] : memref<16384xi32, #tpu.memory_space<smem>>
        %dma_start3A_372 = tpu.memref_slice %arg5[%rem3A_3] : memref<2x!tpu.dma_semaphore, #tpu.memory_space<semaphore_mem>> -> memref<1x!tpu.dma_semaphore, #tpu.memory_space<semaphore_mem>>
        %dma_start3A_373 = tpu.memref_squeeze %dma_start3A_372 : memref<1x!tpu.dma_semaphore, #tpu.memory_space<semaphore_mem>> -> memref<!tpu.dma_semaphore, #tpu.memory_space<semaphore_mem>>
        %dma_start3A_374 = arith.constant 0 : i32
        %dma_start3A_375 = tpu.memref_slice %arg4[%rem3A_3, %scan3A_366, %dma_start3A_374] : memref<2x256x64xf32, #tpu.memory_space<vmem>> -> memref<1x1x64xf32, #tpu.memory_space<vmem>>
        %dma_start3A_376 = tpu.memref_squeeze %dma_start3A_375 : memref<1x1x64xf32, #tpu.memory_space<vmem>> -> memref<1x64xf32, #tpu.memory_space<vmem>>
        %dma_start3A_377 = arith.constant 0 : i32
        %dma_start3A_378 = tpu.memref_slice %arg2[%get3A_371, %dma_start3A_377] : memref<1000000x64xf32, #tpu.memory_space<hbm>> -> memref<1x64xf32, #tpu.memory_space<hbm>>
        tpu.enqueue_dma source(%dma_start3A_378 : memref<1x64xf32, #tpu.memory_space<hbm>>) target(%dma_start3A_376 : memref<1x64xf32, #tpu.memory_space<vmem>>) target_semaphore(%dma_start3A_373 : memref<!tpu.dma_semaphore, #tpu.memory_space<semaphore_mem>>)
        %scan3A_379 = arith.constant 25 : i32
        %scan3A_380 = arith.addi %scan3A_32, %scan3A_379 : i32
        %mul3A_381 = arith.constant 256 : i32
        %mul3A_382 = arith.muli %add3A_27, %mul3A_381 : i32
        %add3A_383 = arith.addi %mul3A_382, %scan3A_380 : i32
        %get3A_384 = arith.index_cast %add3A_383 : i32 to index
        %get3A_385 = memref.load %arg1[%get3A_384] : memref<16384xi32, #tpu.memory_space<smem>>
        %dma_start3A_386 = tpu.memref_slice %arg5[%rem3A_3] : memref<2x!tpu.dma_semaphore, #tpu.memory_space<semaphore_mem>> -> memref<1x!tpu.dma_semaphore, #tpu.memory_space<semaphore_mem>>
        %dma_start3A_387 = tpu.memref_squeeze %dma_start3A_386 : memref<1x!tpu.dma_semaphore, #tpu.memory_space<semaphore_mem>> -> memref<!tpu.dma_semaphore, #tpu.memory_space<semaphore_mem>>
        %dma_start3A_388 = arith.constant 0 : i32
        %dma_start3A_389 = tpu.memref_slice %arg4[%rem3A_3, %scan3A_380, %dma_start3A_388] : memref<2x256x64xf32, #tpu.memory_space<vmem>> -> memref<1x1x64xf32, #tpu.memory_space<vmem>>
        %dma_start3A_390 = tpu.memref_squeeze %dma_start3A_389 : memref<1x1x64xf32, #tpu.memory_space<vmem>> -> memref<1x64xf32, #tpu.memory_space<vmem>>
        %dma_start3A_391 = arith.constant 0 : i32
        %dma_start3A_392 = tpu.memref_slice %arg2[%get3A_385, %dma_start3A_391] : memref<1000000x64xf32, #tpu.memory_space<hbm>> -> memref<1x64xf32, #tpu.memory_space<hbm>>
        tpu.enqueue_dma source(%dma_start3A_392 : memref<1x64xf32, #tpu.memory_space<hbm>>) target(%dma_start3A_390 : memref<1x64xf32, #tpu.memory_space<vmem>>) target_semaphore(%dma_start3A_387 : memref<!tpu.dma_semaphore, #tpu.memory_space<semaphore_mem>>)
        %scan3A_393 = arith.constant 26 : i32
        %scan3A_394 = arith.addi %scan3A_32, %scan3A_393 : i32
        %mul3A_395 = arith.constant 256 : i32
        %mul3A_396 = arith.muli %add3A_27, %mul3A_395 : i32
        %add3A_397 = arith.addi %mul3A_396, %scan3A_394 : i32
        %get3A_398 = arith.index_cast %add3A_397 : i32 to index
        %get3A_399 = memref.load %arg1[%get3A_398] : memref<16384xi32, #tpu.memory_space<smem>>
        %dma_start3A_400 = tpu.memref_slice %arg5[%rem3A_3] : memref<2x!tpu.dma_semaphore, #tpu.memory_space<semaphore_mem>> -> memref<1x!tpu.dma_semaphore, #tpu.memory_space<semaphore_mem>>
        %dma_start3A_401 = tpu.memref_squeeze %dma_start3A_400 : memref<1x!tpu.dma_semaphore, #tpu.memory_space<semaphore_mem>> -> memref<!tpu.dma_semaphore, #tpu.memory_space<semaphore_mem>>
        %dma_start3A_402 = arith.constant 0 : i32
        %dma_start3A_403 = tpu.memref_slice %arg4[%rem3A_3, %scan3A_394, %dma_start3A_402] : memref<2x256x64xf32, #tpu.memory_space<vmem>> -> memref<1x1x64xf32, #tpu.memory_space<vmem>>
        %dma_start3A_404 = tpu.memref_squeeze %dma_start3A_403 : memref<1x1x64xf32, #tpu.memory_space<vmem>> -> memref<1x64xf32, #tpu.memory_space<vmem>>
        %dma_start3A_405 = arith.constant 0 : i32
        %dma_start3A_406 = tpu.memref_slice %arg2[%get3A_399, %dma_start3A_405] : memref<1000000x64xf32, #tpu.memory_space<hbm>> -> memref<1x64xf32, #tpu.memory_space<hbm>>
        tpu.enqueue_dma source(%dma_start3A_406 : memref<1x64xf32, #tpu.memory_space<hbm>>) target(%dma_start3A_404 : memref<1x64xf32, #tpu.memory_space<vmem>>) target_semaphore(%dma_start3A_401 : memref<!tpu.dma_semaphore, #tpu.memory_space<semaphore_mem>>)
        %scan3A_407 = arith.constant 27 : i32
        %scan3A_408 = arith.addi %scan3A_32, %scan3A_407 : i32
        %mul3A_409 = arith.constant 256 : i32
        %mul3A_410 = arith.muli %add3A_27, %mul3A_409 : i32
        %add3A_411 = arith.addi %mul3A_410, %scan3A_408 : i32
        %get3A_412 = arith.index_cast %add3A_411 : i32 to index
        %get3A_413 = memref.load %arg1[%get3A_412] : memref<16384xi32, #tpu.memory_space<smem>>
        %dma_start3A_414 = tpu.memref_slice %arg5[%rem3A_3] : memref<2x!tpu.dma_semaphore, #tpu.memory_space<semaphore_mem>> -> memref<1x!tpu.dma_semaphore, #tpu.memory_space<semaphore_mem>>
        %dma_start3A_415 = tpu.memref_squeeze %dma_start3A_414 : memref<1x!tpu.dma_semaphore, #tpu.memory_space<semaphore_mem>> -> memref<!tpu.dma_semaphore, #tpu.memory_space<semaphore_mem>>
        %dma_start3A_416 = arith.constant 0 : i32
        %dma_start3A_417 = tpu.memref_slice %arg4[%rem3A_3, %scan3A_408, %dma_start3A_416] : memref<2x256x64xf32, #tpu.memory_space<vmem>> -> memref<1x1x64xf32, #tpu.memory_space<vmem>>
        %dma_start3A_418 = tpu.memref_squeeze %dma_start3A_417 : memref<1x1x64xf32, #tpu.memory_space<vmem>> -> memref<1x64xf32, #tpu.memory_space<vmem>>
        %dma_start3A_419 = arith.constant 0 : i32
        %dma_start3A_420 = tpu.memref_slice %arg2[%get3A_413, %dma_start3A_419] : memref<1000000x64xf32, #tpu.memory_space<hbm>> -> memref<1x64xf32, #tpu.memory_space<hbm>>
        tpu.enqueue_dma source(%dma_start3A_420 : memref<1x64xf32, #tpu.memory_space<hbm>>) target(%dma_start3A_418 : memref<1x64xf32, #tpu.memory_space<vmem>>) target_semaphore(%dma_start3A_415 : memref<!tpu.dma_semaphore, #tpu.memory_space<semaphore_mem>>)
        %scan3A_421 = arith.constant 28 : i32
        %scan3A_422 = arith.addi %scan3A_32, %scan3A_421 : i32
        %mul3A_423 = arith.constant 256 : i32
        %mul3A_424 = arith.muli %add3A_27, %mul3A_423 : i32
        %add3A_425 = arith.addi %mul3A_424, %scan3A_422 : i32
        %get3A_426 = arith.index_cast %add3A_425 : i32 to index
        %get3A_427 = memref.load %arg1[%get3A_426] : memref<16384xi32, #tpu.memory_space<smem>>
        %dma_start3A_428 = tpu.memref_slice %arg5[%rem3A_3] : memref<2x!tpu.dma_semaphore, #tpu.memory_space<semaphore_mem>> -> memref<1x!tpu.dma_semaphore, #tpu.memory_space<semaphore_mem>>
        %dma_start3A_429 = tpu.memref_squeeze %dma_start3A_428 : memref<1x!tpu.dma_semaphore, #tpu.memory_space<semaphore_mem>> -> memref<!tpu.dma_semaphore, #tpu.memory_space<semaphore_mem>>
        %dma_start3A_430 = arith.constant 0 : i32
        %dma_start3A_431 = tpu.memref_slice %arg4[%rem3A_3, %scan3A_422, %dma_start3A_430] : memref<2x256x64xf32, #tpu.memory_space<vmem>> -> memref<1x1x64xf32, #tpu.memory_space<vmem>>
        %dma_start3A_432 = tpu.memref_squeeze %dma_start3A_431 : memref<1x1x64xf32, #tpu.memory_space<vmem>> -> memref<1x64xf32, #tpu.memory_space<vmem>>
        %dma_start3A_433 = arith.constant 0 : i32
        %dma_start3A_434 = tpu.memref_slice %arg2[%get3A_427, %dma_start3A_433] : memref<1000000x64xf32, #tpu.memory_space<hbm>> -> memref<1x64xf32, #tpu.memory_space<hbm>>
        tpu.enqueue_dma source(%dma_start3A_434 : memref<1x64xf32, #tpu.memory_space<hbm>>) target(%dma_start3A_432 : memref<1x64xf32, #tpu.memory_space<vmem>>) target_semaphore(%dma_start3A_429 : memref<!tpu.dma_semaphore, #tpu.memory_space<semaphore_mem>>)
        %scan3A_435 = arith.constant 29 : i32
        %scan3A_436 = arith.addi %scan3A_32, %scan3A_435 : i32
        %mul3A_437 = arith.constant 256 : i32
        %mul3A_438 = arith.muli %add3A_27, %mul3A_437 : i32
        %add3A_439 = arith.addi %mul3A_438, %scan3A_436 : i32
        %get3A_440 = arith.index_cast %add3A_439 : i32 to index
        %get3A_441 = memref.load %arg1[%get3A_440] : memref<16384xi32, #tpu.memory_space<smem>>
        %dma_start3A_442 = tpu.memref_slice %arg5[%rem3A_3] : memref<2x!tpu.dma_semaphore, #tpu.memory_space<semaphore_mem>> -> memref<1x!tpu.dma_semaphore, #tpu.memory_space<semaphore_mem>>
        %dma_start3A_443 = tpu.memref_squeeze %dma_start3A_442 : memref<1x!tpu.dma_semaphore, #tpu.memory_space<semaphore_mem>> -> memref<!tpu.dma_semaphore, #tpu.memory_space<semaphore_mem>>
        %dma_start3A_444 = arith.constant 0 : i32
        %dma_start3A_445 = tpu.memref_slice %arg4[%rem3A_3, %scan3A_436, %dma_start3A_444] : memref<2x256x64xf32, #tpu.memory_space<vmem>> -> memref<1x1x64xf32, #tpu.memory_space<vmem>>
        %dma_start3A_446 = tpu.memref_squeeze %dma_start3A_445 : memref<1x1x64xf32, #tpu.memory_space<vmem>> -> memref<1x64xf32, #tpu.memory_space<vmem>>
        %dma_start3A_447 = arith.constant 0 : i32
        %dma_start3A_448 = tpu.memref_slice %arg2[%get3A_441, %dma_start3A_447] : memref<1000000x64xf32, #tpu.memory_space<hbm>> -> memref<1x64xf32, #tpu.memory_space<hbm>>
        tpu.enqueue_dma source(%dma_start3A_448 : memref<1x64xf32, #tpu.memory_space<hbm>>) target(%dma_start3A_446 : memref<1x64xf32, #tpu.memory_space<vmem>>) target_semaphore(%dma_start3A_443 : memref<!tpu.dma_semaphore, #tpu.memory_space<semaphore_mem>>)
        %scan3A_449 = arith.constant 30 : i32
        %scan3A_450 = arith.addi %scan3A_32, %scan3A_449 : i32
        %mul3A_451 = arith.constant 256 : i32
        %mul3A_452 = arith.muli %add3A_27, %mul3A_451 : i32
        %add3A_453 = arith.addi %mul3A_452, %scan3A_450 : i32
        %get3A_454 = arith.index_cast %add3A_453 : i32 to index
        %get3A_455 = memref.load %arg1[%get3A_454] : memref<16384xi32, #tpu.memory_space<smem>>
        %dma_start3A_456 = tpu.memref_slice %arg5[%rem3A_3] : memref<2x!tpu.dma_semaphore, #tpu.memory_space<semaphore_mem>> -> memref<1x!tpu.dma_semaphore, #tpu.memory_space<semaphore_mem>>
        %dma_start3A_457 = tpu.memref_squeeze %dma_start3A_456 : memref<1x!tpu.dma_semaphore, #tpu.memory_space<semaphore_mem>> -> memref<!tpu.dma_semaphore, #tpu.memory_space<semaphore_mem>>
        %dma_start3A_458 = arith.constant 0 : i32
        %dma_start3A_459 = tpu.memref_slice %arg4[%rem3A_3, %scan3A_450, %dma_start3A_458] : memref<2x256x64xf32, #tpu.memory_space<vmem>> -> memref<1x1x64xf32, #tpu.memory_space<vmem>>
        %dma_start3A_460 = tpu.memref_squeeze %dma_start3A_459 : memref<1x1x64xf32, #tpu.memory_space<vmem>> -> memref<1x64xf32, #tpu.memory_space<vmem>>
        %dma_start3A_461 = arith.constant 0 : i32
        %dma_start3A_462 = tpu.memref_slice %arg2[%get3A_455, %dma_start3A_461] : memref<1000000x64xf32, #tpu.memory_space<hbm>> -> memref<1x64xf32, #tpu.memory_space<hbm>>
        tpu.enqueue_dma source(%dma_start3A_462 : memref<1x64xf32, #tpu.memory_space<hbm>>) target(%dma_start3A_460 : memref<1x64xf32, #tpu.memory_space<vmem>>) target_semaphore(%dma_start3A_457 : memref<!tpu.dma_semaphore, #tpu.memory_space<semaphore_mem>>)
        %scan3A_463 = arith.constant 31 : i32
        %scan3A_464 = arith.addi %scan3A_32, %scan3A_463 : i32
        %mul3A_465 = arith.constant 256 : i32
        %mul3A_466 = arith.muli %add3A_27, %mul3A_465 : i32
        %add3A_467 = arith.addi %mul3A_466, %scan3A_464 : i32
        %get3A_468 = arith.index_cast %add3A_467 : i32 to index
        %get3A_469 = memref.load %arg1[%get3A_468] : memref<16384xi32, #tpu.memory_space<smem>>
        %dma_start3A_470 = tpu.memref_slice %arg5[%rem3A_3] : memref<2x!tpu.dma_semaphore, #tpu.memory_space<semaphore_mem>> -> memref<1x!tpu.dma_semaphore, #tpu.memory_space<semaphore_mem>>
        %dma_start3A_471 = tpu.memref_squeeze %dma_start3A_470 : memref<1x!tpu.dma_semaphore, #tpu.memory_space<semaphore_mem>> -> memref<!tpu.dma_semaphore, #tpu.memory_space<semaphore_mem>>
        %dma_start3A_472 = arith.constant 0 : i32
        %dma_start3A_473 = tpu.memref_slice %arg4[%rem3A_3, %scan3A_464, %dma_start3A_472] : memref<2x256x64xf32, #tpu.memory_space<vmem>> -> memref<1x1x64xf32, #tpu.memory_space<vmem>>
        %dma_start3A_474 = tpu.memref_squeeze %dma_start3A_473 : memref<1x1x64xf32, #tpu.memory_space<vmem>> -> memref<1x64xf32, #tpu.memory_space<vmem>>
        %dma_start3A_475 = arith.constant 0 : i32
        %dma_start3A_476 = tpu.memref_slice %arg2[%get3A_469, %dma_start3A_475] : memref<1000000x64xf32, #tpu.memory_space<hbm>> -> memref<1x64xf32, #tpu.memory_space<hbm>>
        tpu.enqueue_dma source(%dma_start3A_476 : memref<1x64xf32, #tpu.memory_space<hbm>>) target(%dma_start3A_474 : memref<1x64xf32, #tpu.memory_space<vmem>>) target_semaphore(%dma_start3A_471 : memref<!tpu.dma_semaphore, #tpu.memory_space<semaphore_mem>>)
      }
      %scan3A_31 = arith.constant 256 : i32
    } else {
    }
    %dma_wait3A = tpu.memref_slice %arg5[%rem3A_0] : memref<2x!tpu.dma_semaphore, #tpu.memory_space<semaphore_mem>> -> memref<1x!tpu.dma_semaphore, #tpu.memory_space<semaphore_mem>>
    %dma_wait3A_12 = tpu.memref_squeeze %dma_wait3A : memref<1x!tpu.dma_semaphore, #tpu.memory_space<semaphore_mem>> -> memref<!tpu.dma_semaphore, #tpu.memory_space<semaphore_mem>>
    %dma_wait3A_13 = arith.constant 0 : i32
    %dma_wait3A_14 = arith.constant 0 : i32
    %dma_wait3A_15 = tpu.memref_slice %arg4[%rem3A_0, %dma_wait3A_13, %dma_wait3A_14] : memref<2x256x64xf32, #tpu.memory_space<vmem>> -> memref<1x256x64xf32, #tpu.memory_space<vmem>>
    %dma_wait3A_16 = tpu.memref_squeeze %dma_wait3A_15 : memref<1x256x64xf32, #tpu.memory_space<vmem>> -> memref<256x64xf32, #tpu.memory_space<vmem>>
    %dma_wait3A_17 = arith.constant 0 : i32
    %dma_wait3A_18 = arith.constant 0 : i32
    %dma_wait3A_19 = tpu.memref_slice %arg2[%dma_wait3A_17, %dma_wait3A_18] : memref<1000000x64xf32, #tpu.memory_space<hbm>> -> memref<256x64xf32, #tpu.memory_space<hbm>>
    tpu.wait_dma2 semaphore(%dma_wait3A_12 : memref<!tpu.dma_semaphore, #tpu.memory_space<semaphore_mem>>) src(%dma_wait3A_19 : memref<256x64xf32, #tpu.memory_space<hbm>>) dst(%dma_wait3A_16 : memref<256x64xf32, #tpu.memory_space<vmem>>)
    %get3A = arith.index_cast %rem3A_0 : i32 to index
    %get3A_20 = arith.constant 0 : index
    %get3A_21 = arith.constant 0 : index
    %get3A_22 = vector.load %arg4[%get3A, %get3A_20, %get3A_21] : memref<2x256x64xf32, #tpu.memory_space<vmem>>, vector<1x256x64xf32>
    %get3A_23 = vector.shape_cast %get3A_22 : vector<1x256x64xf32> to vector<256x64xf32>
    %swap3A = arith.constant 0 : index
    %swap3A_24 = arith.constant 0 : index
    %swap3A_25 = vector.load %arg3[%swap3A, %swap3A_24] : memref<256x64xf32, #tpu.memory_space<vmem>>, vector<256x64xf32>
    tpu.vector_store %arg3[%swap3A, %swap3A_24], %get3A_23 {strides = array<i32>} : memref<256x64xf32, #tpu.memory_space<vmem>>, vector<256x64xf32>,
    return
  }
  func.func @transform_1(%arg0: i32, %arg1: memref<16384xi32, #tpu.memory_space<smem>>) -> (i32, i32) {
    %c0_i32 = arith.constant 0 : i32
    %c0_i32_0 = arith.constant 0 : i32
    return %arg0, %c0_i32 : i32, i32
  }
}

module attributes {stable_mosaic.version = 14 : i64} {
  func.func @_mlp_body(%arg0: i32, %arg1: memref<2048x64xf32, #tpu.memory_space<vmem>>, %arg2: memref<2048x64xf32, #tpu.memory_space<vmem>>, %arg3: memref<256x128xf32, #tpu.memory_space<vmem>>, %arg4: memref<1x256xf32, #tpu.memory_space<vmem>>, %arg5: memref<1x256xf32, #tpu.memory_space<vmem>>, %arg6: memref<1x1xf32, #tpu.memory_space<smem>>, %arg7: memref<2048x1xf32, #tpu.memory_space<vmem>>) attributes {dimension_semantics = [#tpu.dimension_semantics<arbitrary>], iteration_bounds = array<i64: 8>, scalar_prefetch = 0 : i64, scratch_operands = 0 : i64, tpu.core_type = #tpu.core_type<tc>, window_params = [{transform_indices = @transform_0, window_bounds = array<i64: 2048, 64>}, {transform_indices = @transform_1, window_bounds = array<i64: 2048, 64>}, {pipeline_mode = #tpu.pipeline_mode<synchronous>, transform_indices = @transform_2, window_bounds = array<i64: 256, 128>}, {pipeline_mode = #tpu.pipeline_mode<synchronous>, transform_indices = @transform_3, window_bounds = array<i64: 1, 256>}, {pipeline_mode = #tpu.pipeline_mode<synchronous>, transform_indices = @transform_4, window_bounds = array<i64: 1, 256>}, {transform_indices = @transform_5, window_bounds = array<i64: 1, 1>}, {transform_indices = @transform_6, window_bounds = array<i64: 2048, 1>}]} {
    %get3A = arith.constant 0 : index
    %get3A_0 = arith.constant 0 : index
    %get3A_1 = vector.load %arg3[%get3A, %get3A_0] : memref<256x128xf32, #tpu.memory_space<vmem>>, vector<256x128xf32>
    %get3A_2 = arith.constant 0 : index
    %get3A_3 = arith.constant 0 : index
    %get3A_4 = vector.load %arg1[%get3A_2, %get3A_3] : memref<2048x64xf32, #tpu.memory_space<vmem>>, vector<2048x64xf32>
    %slice3A = vector.extract_strided_slice %get3A_1 {offsets = [0, 0], sizes = [256, 64], strides = [1, 1]} : vector<256x128xf32> to vector<256x64xf32>
    %dot_general3A = arith.constant dense<0.000000e+00> : vector<2048x256xf32>
    %dot_general3A_5 = tpu.matmul %get3A_4, %slice3A, %dot_general3A {dimension_numbers = #tpu.dot_dimension_numbers<[1], [1], [0], [0], [0, 0, 1, 0], [], []>, transpose_lhs_hint = false} : vector<2048x64xf32>, vector<256x64xf32>, vector<2048x256xf32> -> vector<2048x256xf32>
    %get3A_6 = arith.constant 0 : index
    %get3A_7 = arith.constant 0 : index
    %get3A_8 = vector.load %arg2[%get3A_6, %get3A_7] : memref<2048x64xf32, #tpu.memory_space<vmem>>, vector<2048x64xf32>
    %slice3A_9 = vector.extract_strided_slice %get3A_1 {offsets = [0, 64], sizes = [256, 64], strides = [1, 1]} : vector<256x128xf32> to vector<256x64xf32>
    %dot_general3A_10 = arith.constant dense<0.000000e+00> : vector<2048x256xf32>
    %dot_general3A_11 = tpu.matmul %get3A_8, %slice3A_9, %dot_general3A_10 {dimension_numbers = #tpu.dot_dimension_numbers<[1], [1], [0], [0], [0, 0, 1, 0], [], []>, transpose_lhs_hint = false} : vector<2048x64xf32>, vector<256x64xf32>, vector<2048x256xf32> -> vector<2048x256xf32>
    %add3A = arith.addf %dot_general3A_5, %dot_general3A_11 : vector<2048x256xf32>
    %get3A_12 = arith.constant 0 : index
    %get3A_13 = arith.constant 0 : index
    %get3A_14 = vector.load %arg4[%get3A_12, %get3A_13] : memref<1x256xf32, #tpu.memory_space<vmem>>, vector<1x256xf32>
    %get3A_15 = vector.shape_cast %get3A_14 : vector<1x256xf32> to vector<256xf32>
    %broadcast_in_dim3A = vector.shape_cast %get3A_15 : vector<256xf32> to vector<1x256xf32>
    %add3A_16 = vector.broadcast %broadcast_in_dim3A : vector<1x256xf32> to vector<2048x256xf32>
    %add3A_17 = arith.addf %add3A, %add3A_16 : vector<2048x256xf32>
    %max3A = arith.constant 0.000000e+00 : f32
    %max3A_18 = vector.broadcast %max3A : f32 to vector<2048x256xf32>
    %max3A_19 = arith.maximumf %add3A_17, %max3A_18 : vector<2048x256xf32>
    %get3A_20 = arith.constant 0 : index
    %get3A_21 = arith.constant 0 : index
    %get3A_22 = vector.load %arg5[%get3A_20, %get3A_21] : memref<1x256xf32, #tpu.memory_space<vmem>>, vector<1x256xf32>
    %get3A_23 = vector.shape_cast %get3A_22 : vector<1x256xf32> to vector<256xf32>
    %broadcast_in_dim3A_24 = vector.shape_cast %get3A_23 : vector<256xf32> to vector<1x256xf32>
    %mul3A = vector.broadcast %broadcast_in_dim3A_24 : vector<1x256xf32> to vector<2048x256xf32>
    %mul3A_25 = arith.mulf %max3A_19, %mul3A : vector<2048x256xf32>
    %reduce_sum3A = arith.constant dense<0.000000e+00> : vector<2048xf32>
    %reduce_sum3A_26 = vector.multi_reduction <add>, %mul3A_25, %reduce_sum3A [1] : vector<2048x256xf32> to vector<2048xf32>
    %broadcast_in_dim3A_27 = vector.shape_cast %reduce_sum3A_26 : vector<2048xf32> to vector<2048x1xf32>
    %get3A_28 = arith.constant 0 : index
    %get3A_29 = arith.constant 0 : index
    %get3A_30 = memref.load %arg6[%get3A_28, %get3A_29] : memref<1x1xf32, #tpu.memory_space<smem>>
    %add3A_31 = vector.broadcast %get3A_30 : f32 to vector<2048x1xf32>
    %add3A_32 = arith.addf %broadcast_in_dim3A_27, %add3A_31 : vector<2048x1xf32>
    %logistic3A = arith.negf %add3A_32 : vector<2048x1xf32>
    %logistic3A_33 = math.exp %logistic3A : vector<2048x1xf32>
    %logistic3A_34 = arith.constant 1.000000e+00 : f32
    %logistic3A_35 = vector.broadcast %logistic3A_34 : f32 to vector<2048x1xf32>
    %logistic3A_36 = arith.addf %logistic3A_35, %logistic3A_33 : vector<2048x1xf32>
    %logistic3A_37 = arith.divf %logistic3A_35, %logistic3A_36 : vector<2048x1xf32>
    %mul3A_38 = arith.constant 5.500000e+00 : f32
    %mul3A_39 = vector.broadcast %mul3A_38 : f32 to vector<2048x1xf32>
    %mul3A_40 = arith.mulf %logistic3A_37, %mul3A_39 : vector<2048x1xf32>
    %add3A_41 = arith.constant 0.000000e+00 : f32
    %add3A_42 = vector.broadcast %add3A_41 : f32 to vector<2048x1xf32>
    %add3A_43 = arith.addf %mul3A_40, %add3A_42 : vector<2048x1xf32>
    %swap3A = arith.constant 0 : index
    %swap3A_44 = arith.constant 0 : index
    %swap3A_45 = vector.load %arg7[%swap3A, %swap3A_44] : memref<2048x1xf32, #tpu.memory_space<vmem>>, vector<2048x1xf32>
    tpu.vector_store %arg7[%swap3A, %swap3A_44], %add3A_43 {strides = array<i32>} : memref<2048x1xf32, #tpu.memory_space<vmem>>, vector<2048x1xf32>,
    return
  }
  func.func @transform_0(%arg0: i32) -> (i32, i32) {
    %c0_i32 = arith.constant 0 : i32
    %c0_i32_0 = arith.constant 0 : i32
    return %arg0, %c0_i32 : i32, i32
  }
  func.func @transform_1(%arg0: i32) -> (i32, i32) {
    %c0_i32 = arith.constant 0 : i32
    %c0_i32_0 = arith.constant 0 : i32
    return %arg0, %c0_i32 : i32, i32
  }
  func.func @transform_2(%arg0: i32) -> (i32, i32) {
    %c0_i32 = arith.constant 0 : i32
    %c0_i32_0 = arith.constant 0 : i32
    %c0_i32_1 = arith.constant 0 : i32
    return %c0_i32, %c0_i32_0 : i32, i32
  }
  func.func @transform_3(%arg0: i32) -> (i32, i32) {
    %c0_i32 = arith.constant 0 : i32
    %c0_i32_0 = arith.constant 0 : i32
    %c0_i32_1 = arith.constant 0 : i32
    return %c0_i32, %c0_i32_0 : i32, i32
  }
  func.func @transform_4(%arg0: i32) -> (i32, i32) {
    %c0_i32 = arith.constant 0 : i32
    %c0_i32_0 = arith.constant 0 : i32
    %c0_i32_1 = arith.constant 0 : i32
    return %c0_i32, %c0_i32_0 : i32, i32
  }
  func.func @transform_5(%arg0: i32) -> (i32, i32) {
    %c0_i32 = arith.constant 0 : i32
    %c0_i32_0 = arith.constant 0 : i32
    %c0_i32_1 = arith.constant 0 : i32
    return %c0_i32, %c0_i32_0 : i32, i32
  }
  func.func @transform_6(%arg0: i32) -> (i32, i32) {
    %c0_i32 = arith.constant 0 : i32
    %c0_i32_0 = arith.constant 0 : i32
    return %arg0, %c0_i32 : i32, i32
  }
}

</mosaic_0001>

<sc_bundles>
// kernel: kernel.5.cloned.1.call-start
scs
__scs_entry_jumppad:
0x0: {  	(pc) =	sbr.rel $0x88, $3  }
0x1: {  	(tag) =	ssettag $0x0;
	lr =	simm.s32 $0x1  }
0x2: {  	[smem:$0x3F99] =	sst lr;
	_ =	strace $0xD0000000  }
0x3: {  	_ = 	snop  }
0x4: {  	_ = 	snop  }
0x5: {  	_ = 	snop  }
0x6: {  	_ = 	snop  }
0x7: {  	_ = 	snop  }
__scs_overlays_trampoline_lowered:
0x8: {  	[smem:$0x3FA8] =	sst s0  }
0x9: {  	[smem:$0x3FA9] =	sst s1  }
0xa: {  	[smem:$0x3FAA] =	sst s2  }
0xb: {  	[smem:$0x3FAB] =	sst s3  }
0xc: {  	[smem:$0x3FAC] =	sst s4  }
0xd: {  	[smem:$0x3FAD] =	sst s5  }
0xe: {  	[smem:$0x3FAE] =	sst s6  }
0xf: {  	[smem:$0x3FAF] =	sst s7  }
0x10: {  	[smem:$0x3FB0] =	sst s8  }
0x11: {  	[smem:$0x3FB1] =	sst s9;
	s0 =	simm.s32 @!p0 $0x0  }
0x12: {  	s1 =	sld [smem:$0x3F97];
	s0 =	simm.s32 @p0 $0x1  }
0x13: {  	[smem:$0x3FB2] =	sst s0;
	s0 =	simm.s32 @!p1 $0x0  }
0x14: {  	s2 =	sld [smem:$0x3F96];
	s0 =	simm.s32 @p1 $0x1  }
0x15: {  	[smem:$0x3FB3] =	sst s0;
	s0 =	simm.s32 @!p2 $0x0  }
0x16: {  	s3 =	sld [smem:$0x3FDB];
	s0 =	simm.s32 @p2 $0x1  }
0x17: {  	s4 =	simm.s32 $0x1BF5;
	[smem:$0x3FB5] =	sst s0  }
0x18: {  	s0 =	sld [smem:$0x3F98];
	_ =	swait.ge [sflag:s4], $0x0  }
0x19: {  	s7 =	sld [smem:$0x3F99]  }
0x1a: {  	s8 =	sadd.s32 $0xFFFFE003, lr  }
0x1b: {  	s9 =	sadd.s32 $0xFFFFFEF7, lr;
	s5 =	simm.s32 $0xFFFFFFFF;
	p2 =	slt.u32 s8, $0xFFFFF086  }
0x1c: {  	p1 =	slt.u32 s9, $0xF7A;
	s5 =	simm.s32 @!p2 $0x0  }
0x1d: {  	s5 =	simm.s32 @p1 $0x1;
	p0 =	seq.s32 s7, s2  }
0x1e: {  	s7 =	smul.u32 @!p0 $0xF7A, s2;
	p2 =	seq.s32 @!p0 s5, $0x0  }
0x1f: {  	s9 =	smul.u32 $0xF7A, s1;
	s8 =	simm.s32 @!p0 $0x1BF5;
	p2 =	por !p2, p0  }
0x20: {  	[sflag:s8] =	ssyncset.s32 @!p0 $0xFFFFF086;
	s6 =	sadd.s32 @!p0 s3, s7;
	s7 =	simm.s32 @!p0 $0x108  }
0x21: {  	s3 =	sadd.s32 s3, s9;
	s6 =	sadd.s32 @!p0 $0x88, s6;
	s7 =	simm.s32 @p2 $0x1082  }
0x22: {  	[simem:s7], [sflag:s8] =	dma.local @!p0 [hbm:s6], $0xF7A  }
0x23: {  	s9 =	sor.u32 $0xD0000000, s2;
	s6 =	simm.s32 $0x108;
	_ =	swait.ge @!p0 [sflag:s8], $0x0  }
0x24: {  	s3 =	sadd.s32 $0x88, s3;
	s6 =	simm.s32 @!p1 $0x1082;
	[sflag:s4] =	ssyncset.s32 $0xFFFFF086  }
0x25: {  	[simem:s6], [sflag:s4] =	dma.local [hbm:s3], $0xF7A  }
0x26: {  	[smem:$0x3F99] =	sst s1;
	(tag) =	ssettag s2;
	_ =	strace s9  }
0x27: {  	s1 =	sld [smem:$0x3FA9]  }
0x28: {  	s2 =	sld [smem:$0x3FAA]  }
0x29: {  	s4 =	sld [smem:$0x3FAC]  }
0x2a: {  	p0 =	seq.s32 s5, $0x0;
	s5 =	sld [smem:$0x3FAD]  }
0x2b: {  	s6 =	sld [smem:$0x3FAE]  }
0x2c: {  	s7 =	sld [smem:$0x3FAF]  }
0x2d: {  	s3 =	simm.s32 $0x108;
	s8 =	sld [smem:$0x3FB0]  }
0x2e: {  	s3 =	simm.s32 @!p0 $0x1082;
	s9 =	sld [smem:$0x3FB1]  }
0x2f: {  	lr =	sadd.s32 s0, s3;
	s0 =	sld [smem:$0x3FA8]  }
0x30: {  	s3 =	sld [smem:$0x3FAB]  }
0x31: {  	[smem:$0x3FB4] =	sst s10  }
0x32: {  	s10 =	sld [smem:$0x3FB2];
	_ =	sdelay $0x3  }
0x33: {  	p0 =	seq.s32 s10, $0x1;
	s10 =	sld [smem:$0x3FB4];
	_ =	sdelay $0x3  }
0x34: {  	[smem:$0x3FB4] =	sst s10  }
0x35: {  	s10 =	sld [smem:$0x3FB3];
	_ =	sdelay $0x3  }
0x36: {  	p1 =	seq.s32 s10, $0x1;
	s10 =	sld [smem:$0x3FB4];
	_ =	sdelay $0x3  }
0x37: {  	[smem:$0x3FB4] =	sst s10  }
0x38: {  	s10 =	sld [smem:$0x3FB5]  }
0x39: {  	_ = 	snop;
	(pc) =	sbr.ind lr, $3  }
0x3a: {  	_ = 	snop  }
0x3b: {  	_ = 	snop  }
0x3c: {  	p2 =	seq.s32 s10, $0x1;
	s10 =	sld [smem:$0x3FB4]  }
0x3d: {  	_ =	shalt  }
0x3e: {  	_ =	shalt  }
0x3f: {  	_ =	shalt  }
0x40: {  	_ =	shalt  }
0x41: {  	_ =	shalt  }
0x42: {  	_ =	shalt  }
0x43: {  	_ =	shalt  }
0x44: {  	_ =	shalt  }
0x45: {  	_ =	shalt  }
0x46: {  	_ =	shalt  }
0x47: {  	_ =	shalt  }
0x48: {  	_ =	shalt  }
0x49: {  	_ =	shalt  }
0x4a: {  	_ =	shalt  }
0x4b: {  	_ =	shalt  }
0x4c: {  	_ =	shalt  }
0x4d: {  	_ =	shalt  }
0x4e: {  	_ =	shalt  }
0x4f: {  	_ =	shalt  }
0x50: {  	_ =	shalt  }
0x51: {  	_ =	shalt  }
0x52: {  	_ =	shalt  }
0x53: {  	_ =	shalt  }
0x54: {  	_ =	shalt  }
0x55: {  	_ =	shalt  }
0x56: {  	_ =	shalt  }
0x57: {  	_ =	shalt  }
0x58: {  	_ =	shalt  }
0x59: {  	_ =	shalt  }
0x5a: {  	_ =	shalt  }
0x5b: {  	_ =	shalt  }
0x5c: {  	_ =	shalt  }
0x5d: {  	_ =	shalt  }
0x5e: {  	_ =	shalt  }
0x5f: {  	_ =	shalt  }
0x60: {  	_ =	shalt  }
0x61: {  	_ =	shalt  }
0x62: {  	_ =	shalt  }
0x63: {  	_ =	shalt  }
0x64: {  	_ =	shalt  }
0x65: {  	_ =	shalt  }
0x66: {  	_ =	shalt  }
0x67: {  	_ =	shalt  }
0x68: {  	_ =	shalt  }
0x69: {  	_ =	shalt  }
0x6a: {  	_ =	shalt  }
0x6b: {  	_ =	shalt  }
0x6c: {  	_ =	shalt  }
0x6d: {  	_ =	shalt  }
0x6e: {  	_ =	shalt  }
0x6f: {  	_ =	shalt  }
0x70: {  	_ =	shalt  }
0x71: {  	_ =	shalt  }
0x72: {  	_ =	shalt  }
0x73: {  	_ =	shalt  }
0x74: {  	_ =	shalt  }
0x75: {  	_ =	shalt  }
0x76: {  	_ =	shalt  }
0x77: {  	_ =	shalt  }
0x78: {  	_ =	shalt  }
0x79: {  	_ =	shalt  }
0x7a: {  	_ =	shalt  }
0x7b: {  	_ =	shalt  }
0x7c: {  	_ =	shalt  }
0x7d: {  	_ =	shalt  }
0x7e: {  	_ =	shalt  }
0x7f: {  	_ =	shalt  }
0x80: {  	_ =	shalt  }
0x81: {  	_ =	shalt  }
0x82: {  	_ =	shalt  }
0x83: {  	_ =	shalt  }
0x84: {  	_ =	shalt  }
0x85: {  	_ =	shalt  }
0x86: {  	_ =	shalt  }
0x87: {  	_ =	shalt  }
.Lfunc_end0:
.L_simem_size_0:
called_computation_lowered:
.L_overlay_start_0:
0x88: {  	s2 =	sld [smem:$0x3FD9]  }
0x89: {  	s3 =	sld [smem:$0x3FFE];
	_ =	sdelay $0x1  }
0x8a: {  	s1 =	srdreg.scid  }
0x8b: {  	s0 =	sand.u32 $0x1, s1  }
0x8c: {  	s17 =	sshll.u32 s0, $0xA;
	s2 =	sadd.s32 s3, s2  }
0x8d: {  	s2 =	sadd.s32 s2, s17  }
0x8e: {  	[smem:$0x3FC0] =	sst s2  }
0x8f: {  	_ = 	snop  }
0x90: {  	s2 =	sld [smem:$0x3FC8];
	(tm) =	ssettm $0x1  }
0x91: {  	s18 =	sld [smem:$0x3FFB];
	_ =	sdelay $0x3  }
0x92: {  	_ =	strace s18  }
0x93: {  	s3 =	sld [smem:$0x3FFC];
	_ =	sdelay $0x3  }
0x94: {  	_ =	strace s3  }
0x95: {  	s3 =	sld [smem:$0x3FFD];
	_ =	sdelay $0x3  }
0x96: {  	_ =	strace s3  }
0x97: {  	_ =	strace $0x8FFFFFFF  }
0x98: {  	s19 =	sld [smem:$0x3FDB];
	_ =	sdelay $0x1  }
0x99: {  	s4 =	simm.s32 $_scs_section_size  }
0x9a: {  	s5 =	simm.s32 $_size__tile_overlayer_lowered;
	s6 =	simm.s32 $_tile_overlayer_lowered  }
0x9b: {  	s22 =	simm.s32 $0x1BFF;
	s21 =	sshll.u32 s6, $0x1;
	s3 =	sadd.s32 s4, s19  }
0x9c: {  	s7 =	simm.s32 $0x0;
	s20 =	sshll.u32 s5, $0x1;
	s5 =	sadd.s32 s21, s3  }
0x9d: {  	[timem:s7], [sflag:s22] =	dma.local [hbm:s5], s20  }
0x9e: {  	_ =	swait.ge [sflag:s22], s20  }
0x9f: {  	s4 =	ssub.s32 $0x0, s20;
	[sflag:s22] =	ssyncset.done $0x0  }
0xa0: {  	[sflag:s22] =	ssyncadd.s32 s4;
	_ =	sdelay $0x1  }
0xa1: {  	s23 =	simm.s32 $0x1B8B  }
0xa2: {  	_ =	swait.ge [sflag:s23], $0x1  }
0xa3: {  	[sflag:s23] =	ssyncset.done $0x0  }
0xa4: {  	s25 =	simm.s32 $0x1B8E;
	s24 =	sld [smem:$0x3FFE];
	[sflag:s23] =	ssyncadd.s32 $0xFFFFFFFF  }
0xa5: {  	s26 =	simm.s32 $execute0_lowered;
	[smem:$0x3FD2] =	sst s25  }
0xa6: {  	s5 =	sshll.u32 s26, $0x1;
	_ =	strace $0x80000046;
	[dreg:$0x1] =	wrdreg $0xFFFFFFFF  }
0xa7: {  	s28 =	simm.s32 $_size_execute0_lowered;
	s3 =	sadd.s32 s3, s5;
	[dreg:$0x0] =	wrdreg $0x0  }
0xa8: {  	s5 =	sshll.u32 s28, $0x1;
	[dreg:$0x2] =	wrdreg s3  }
0xa9: {  	[dreg:$0x3] =	wrdreg s5  }
0xaa: {  	[dreg:$0x4] =	wrdreg $0xC0  }
0xab: {  	_ =	task [dreg:s7], $0x5FFFF  }
0xac: {  	[dreg:$0x1] =	wrdreg $0xFFFFFFFF  }
0xad: {  	[dreg:$0x0] =	wrdreg $0x60  }
0xae: {  	[dreg:$0x2] =	wrdreg s2  }
0xaf: {  	[dreg:$0x3] =	wrdreg s24  }
0xb0: {  	[dreg:$0x4] =	wrdreg $0x9  }
0xb1: {  	_ =	task.clear_ibuf [dreg:s7], $0x5FFFF;
	_ =	strace $0x90000046  }
0xb2: {  	s29 =	simm.s32 $0x9;
	_ =	strace $0x80000048  }
0xb3: {  	_ =	swait.ge [sflag:s29], $0x1  }
0xb4: {  	[sflag:s29] =	ssyncadd.s32 $0xFFFFFFFF  }
0xb5: {  	_ =	strace $0x90000048  }
0xb6: {  	_ =	sfence  }
0xb7: {  	s30 =	sld [smem:$0x0];
	_ =	sdelay $0x2  }
0xb8: {  	s31 =	sshll.u32 s1, $0xD;
	s1 =	sshrl.u32 s1, $0x2  }
0xb9: {  	s3 =	sand.u32 $0x4000, s31;
	s1 =	sadd.s32 s1, s30  }
0xba: {  	s0 =	sor.u32 s3, s0;
	s1 =	sshll.u32 s1, $0x11  }
0xbb: {  	s0 =	sor.u32 s1, s0  }
0xbc: {  	s0 =	sadd.s32 $0x8F2B, s0  }
0xbd: {  	[sflag:s0] =	ssyncadd.remote.s32 $0x1  }
0xbe: {  	_ =	sfence.sel $0xFFFF  }
0xbf: {  	[dreg:$0x0] =	wrdreg $0xFFFFFFFF;
	(pc) =	sbr.abs _section_cstart, $3  }
0xc0: {  	[dreg:$0x1] =	wrdreg $0xFFFFFFFF  }
0xc1: {  	_ =	task.clear_ibuf [dreg:s7], $0x2FFFF;
	_ =	strace $0x9FFFFFFF  }
0xc2: {  	(tm) =	ssettm $0x7FFFFFFF  }
0xc3: {  	_ =	shalt  }
tec
execute0_lowered:
.L_overlay_start_1:
0x0: {  	(tag) =	ssettag $0x1  }
0x1: {  	s3 =	rddreg [dreg:$0x0]  }
0x2: {  	s1 =	srdreg.scid;
	s0 =	stileid.u32  }
0x3: {  	s14 =	rddreg [dreg:$0x1];
	s15 =	sand.u32 $0x1, s1;
	s4 =	sshll.u32 s0, $0x1  }
0x4: {  	s2 =	simm.s32 $0x0;
	s1 =	rddreg [dreg:$0x2];
	s16 =	sor.u32 s15, s4  }
0x5: {  	[smem:$0x7FF] =	sst s2;
	s4 =	sshll.u32 s16, $0x6  }
0x6: {  	_ =	strace $0x80000047;
	s4 =	sadd.s32 s3, s4;
	s3 =	simm.s32 $0x2  }
0x7: {  	[tilespmem:s2], [sflag:$0x2] =	stream.linear.gather [hbm4b:s4+s2], $0x200, $0x38;
	[tilespmem:$0x8200] =	vst v63  }
0x8: {  	_ =	swait.ge [sflag:s3], $0x200  }
0x9: {  	s6 =	simm.s32 $0x80;
	[sflag:s3] =	ssyncset.done $0x0  }
0xa: {  	s7 =	simm.s32 $0x200;
	s5 =	sadd.s32 $0x187600, s14;
	[sflag:s3] =	ssyncadd.s32 $0xFFFFFE00  }
0xb: {  	[tilespmem:s7], [sflag:$0x1] =	stream.indirect.gather [hbm4b:s5+s6], $0x40, s2, s6, $0xb8;
	[tilespmem:$0x8200] =	vst v63  }
0xc: {  	s8 =	simm.s32 $0x2200  }
0xd: {  	[tilespmem:s8], [sflag:$0x1] =	stream.indirect.gather [hbm4b:s5+s6], $0x40, s6, s6, $0xb8;
	[tilespmem:$0x8200] =	vst v63  }
0xe: {  	s9 =	simm.s32 $0x100;
	s10 =	simm.s32 $0x4200  }
0xf: {  	[tilespmem:s10], [sflag:$0x1] =	stream.indirect.gather [hbm4b:s5+s6], $0x40, s9, s6, $0xb8;
	[tilespmem:$0x8200] =	vst v63  }
0x10: {  	s11 =	simm.s32 $0x180;
	s12 =	simm.s32 $0x6200;
	s13 =	simm.s32 $0x1  }
0x11: {  	[tilespmem:s12], [sflag:$0x1] =	stream.indirect.gather [hbm4b:s5+s6], $0x40, s11, s6, $0xb8;
	[tilespmem:$0x8200] =	vst v63  }
0x12: {  	_ =	swait.ge [sflag:s13], $0x2000  }
0x13: {  	[sflag:s13] =	ssyncset.done $0x0  }
0x14: {  	[sflag:s13] =	ssyncadd.s32 $0xFFFFE000  }
0x15: {  	_ =	swait.ge [sflag:s13], $0x2000  }
0x16: {  	[sflag:s13] =	ssyncset.done $0x0  }
0x17: {  	s15 =	ssub.s32 $0x2, s15;
	[sflag:s13] =	ssyncadd.s32 $0xFFFFE000  }
0x18: {  	s17 =	sshrl.u32 s15, $0x1;
	_ =	swait.ge [sflag:s13], $0x2000  }
0x19: {  	s15 =	ssub.s32 s15, s17;
	[sflag:s13] =	ssyncset.done $0x0  }
0x1a: {  	s15 =	smax.u32 s15, $0x1;
	[sflag:s13] =	ssyncadd.s32 $0xFFFFE000  }
0x1b: {  	s16 =	sshll.u32 s16, $0xC;
	p0 =	sne.s32 s15, $0x1;
	_ =	swait.ge [sflag:s13], $0x2000  }
.Ltmp0:
0x1c: {  	s14 =	sadd.s32 s16, s14;
	[sflag:s13] =	ssyncset.done $0x0;
	(pc) =	sbr.rel @!p0 .LBB2_2-.Ltmp0, $4  }
0x1d: {  	s14 =	sadd.s32 $0xC00, s14;
	[sflag:s13] =	ssyncadd.s32 $0xFFFFE000  }
0x1e: {  	[hbm4b:s14+s2] =	stream.linear.scatter [tilespmem:s7], [sflag:$0x2], $0x8000, $0x38;
	[tilespmem:$0x8200] =	vst v63  }
0x1f: {  	_ =	swait.ge [sflag:s3], $0x8000  }
0x20: {  	s15 =	sadd.s32 $0xFFFFFFFF, s15;
	[sflag:s3] =	ssyncset.done $0x0  }
.LBB2_1:
0x21: {  	p0 =	sne.s32 s15, $0x1;
	s15 =	sadd.s32 $0xFFFFFFFF, s15;
	[sflag:s3] =	ssyncadd.s32 $0xFFFF8000  }
0x22: {  	[tilespmem:s2], [sflag:$0x2] =	stream.linear.gather [hbm4b:s4+s2], $0x200, $0x38;
	[tilespmem:$0x8200] =	vst v63  }
0x23: {  	_ =	swait.ge [sflag:s3], $0x200  }
0x24: {  	[sflag:s3] =	ssyncset.done $0x0  }
0x25: {  	[sflag:s3] =	ssyncadd.s32 $0xFFFFFE00  }
0x26: {  	[tilespmem:s7], [sflag:$0x1] =	stream.indirect.gather [hbm4b:s5+s6], $0x40, s2, s6, $0xb8;
	[tilespmem:$0x8200] =	vst v63  }
0x27: {  	_ = 	snop  }
0x28: {  	[tilespmem:s8], [sflag:$0x1] =	stream.indirect.gather [hbm4b:s5+s6], $0x40, s6, s6, $0xb8;
	[tilespmem:$0x8200] =	vst v63  }
0x29: {  	_ = 	snop  }
0x2a: {  	[tilespmem:s10], [sflag:$0x1] =	stream.indirect.gather [hbm4b:s5+s6], $0x40, s9, s6, $0xb8;
	[tilespmem:$0x8200] =	vst v63  }
0x2b: {  	_ = 	snop  }
0x2c: {  	[tilespmem:s12], [sflag:$0x1] =	stream.indirect.gather [hbm4b:s5+s6], $0x40, s11, s6, $0xb8;
	[tilespmem:$0x8200] =	vst v63  }
0x2d: {  	_ =	swait.ge [sflag:s13], $0x2000  }
0x2e: {  	[sflag:s13] =	ssyncset.done $0x0  }
0x2f: {  	[sflag:s13] =	ssyncadd.s32 $0xFFFFE000  }
0x30: {  	_ =	swait.ge [sflag:s13], $0x2000  }
0x31: {  	[sflag:s13] =	ssyncset.done $0x0  }
0x32: {  	[sflag:s13] =	ssyncadd.s32 $0xFFFFE000  }
0x33: {  	_ =	swait.ge [sflag:s13], $0x2000  }
0x34: {  	[sflag:s13] =	ssyncset.done $0x0  }
0x35: {  	[sflag:s13] =	ssyncadd.s32 $0xFFFFE000  }
0x36: {  	_ =	swait.ge [sflag:s13], $0x2000  }
.Ltmp1:
0x37: {  	[sflag:s13] =	ssyncset.done $0x0;
	(pc) =	sbr.rel @p0 .LBB2_1-.Ltmp1, $4  }
0x38: {  	[sflag:s13] =	ssyncadd.s32 $0xFFFFE000  }
0x39: {  	[hbm4b:s14+s2] =	stream.linear.scatter [tilespmem:s7], [sflag:$0x2], $0x8000, $0x38;
	[tilespmem:$0x8200] =	vst v63  }
0x3a: {  	_ =	swait.ge [sflag:s3], $0x8000  }
0x3b: {  	[sflag:s3] =	ssyncset.done $0x0  }
.LBB2_2:
0x3c: {  	[sflag:s3] =	ssyncadd.s32 $0xFFFF8000  }
0x3d: {  	_ =	sfence.sel $0x180000  }
0x3e: {  	[bflag:$0x0] =	sbarrier.arrive $0xFFFF  }
0x3f: {  	p0 =	sne.s32 s0, $0x0;
	_ =	strace $0x90000047  }
0x40: {  	s0 =	sadd.s32 @!p0 $0x100000, s1;
	[bflag:$0x2] =	sbarrier.arrive $0xFFFF  }
0x41: {  	[sflag:s0] =	ssyncadd.tile.s32 @!p0 $0x1;
	_ =	shalt  }
.Lfunc_end2:
_tile_overlayer_lowered:
.L_overlay_start_2:
0x42: {  	(tag) =	ssettag $0x2  }
0x43: {  	s0 =	rddreg [dreg:$0x0];
	s2 =	stileid.u32  }
0x44: {  	s1 =	rddreg [dreg:$0x1];
	p0 =	sne.s32 s2, $0x0  }
0x45: {  	s3 =	rddreg [dreg:$0x2];
	[bflag:$0x3] =	sbarrier.arrive $0xFFFF;
	s2 =	simm.s32 @!p0 $0x1C02  }
0x46: {  	[timem:s3], [sflag:s2] =	dma.local @!p0 [hbm:s0], s1  }
0x47: {  	s0 =	simm.s32 @!p0 $0x2  }
0x48: {  	_ =	swait.ge @!p0 [sflag:s0], s1  }
0x49: {  	s1 =	ssub.s32 @!p0 $0x0, s1;
	[sflag:s0] =	ssyncset.done @!p0 $0x0  }
0x4a: {  	[sflag:s0] =	ssyncadd.s32 @!p0 s1  }
0x4b: {  	[bflag:$0x3] =	sbarrier.arrive $0xFFFF  }
0x4c: {  	_ =	shalt  }

</sc_bundles>
